<compile_context>
chip_gen: v7x
topology: tpu7x:2x2x1
jax: 0.10.2.dev20260603
libtpu: 0.0.44.dev20260713+nightly
codegen_flags: <defaults>
</compile_context>

<pallas_src>
import functools

import jax
import jax.numpy as jnp
from jax import lax
from jax.experimental import pallas as pl
from jax.experimental.pallas import tpu as pltpu
from jax.experimental.pallas import tpu_sc as plsc

VOCAB_SIZE = 100000
N_COMMS = 64
ALPHA = 0.01
SEQ_LEN = 200
BATCH = 1024

_NC = 2
_NS = 16
_NW = _NC * _NS
_LANES = 16

_NG = BATCH // _LANES
_SCALE = 1024.0

_VW = 100096
_BC = 8
_NCB = _NW // _BC


def _tab_body(freq_lo_ref, freq_hi_ref, n_ref, m_ref, lens_ref, out_ref,
              mm_ref):
    i = pl.program_id(0)
    col_ok = lax.broadcasted_iota(jnp.int32, (_BC, _VW), 1) < VOCAB_SIZE
    qs = []
    for half, f_ref in ((0, freq_lo_ref), (1, freq_hi_ref)):
        nn = n_ref[pl.ds(i * _BC + half * _NW, _BC), 0]
        ld = jnp.log(nn + VOCAB_SIZE * ALPHA)
        p = f_ref[...] * nn[:, None]
        p = jnp.where(p == 0.0, ALPHA, p)
        lp = jnp.log(p) - ld[:, None]
        q = jnp.floor(lp * _SCALE + 0.5).astype(jnp.int32)
        q = jnp.clip(q, -32768, 32767)
        qs.append(jnp.where(col_ok, q, 0))
    out_ref[...] = (qs[0] & 0xFFFF) | (qs[1] << 16)

    @pl.when(i == 0)
    def _():
        pos = lax.broadcasted_iota(jnp.int32, (SEQ_LEN, BATCH), 0)
        mm_ref[...] = jnp.where(pos < lens_ref[0, :][None, :], m_ref[...],
                                VOCAB_SIZE)


_tab_call = pl.pallas_call(
    _tab_body,
    grid=(_NCB,),
    in_specs=[
        pl.BlockSpec((_BC, _VW), lambda i: (i, 0)),
        pl.BlockSpec((_BC, _VW), lambda i: (i + _NCB, 0)),
        pl.BlockSpec((N_COMMS, 1), lambda i: (0, 0)),
        pl.BlockSpec((SEQ_LEN, BATCH), lambda i: (0, 0)),
        pl.BlockSpec((1, BATCH), lambda i: (0, 0)),
    ],
    out_specs=[
        pl.BlockSpec((_BC, _VW), lambda i: (i, 0)),
        pl.BlockSpec((SEQ_LEN, BATCH), lambda i: (0, 0)),
    ],
    out_shape=[
        jax.ShapeDtypeStruct((_NW, _VW), jnp.int32),
        jax.ShapeDtypeStruct((SEQ_LEN, BATCH), jnp.int32),
    ],
)


def _smax_body(nll_ref, out_ref):
    x = nll_ref[...].astype(jnp.float32) * (1.0 / _SCALE)
    e = jnp.exp(x - jnp.max(x, axis=0, keepdims=True))
    out_ref[...] = (e / jnp.sum(e, axis=0, keepdims=True)).T


_smax_call = pl.pallas_call(
    _smax_body,
    out_shape=jax.ShapeDtypeStruct((BATCH, N_COMMS), jnp.float32),
)


_RC = 10
_NCH = SEQ_LEN // _RC


def _sc_body(tab_hbm, mm_hbm, out_hbm, shard_v, ib0, ib1, out_v, sem0, sem1):
    t = lax.axis_index("s") * _NC + lax.axis_index("c")
    pltpu.sync_copy(tab_hbm.at[t], shard_v)

    z = jnp.zeros((_LANES,), jnp.int32)

    @pl.loop(0, _NG)
    def _zero(g):
        out_v[0, pl.ds(g * _LANES, _LANES)] = z
        out_v[1, pl.ds(g * _LANES, _LANES)] = z

    ibs = (ib0, ib1)
    sems = (sem0, sem1)

    def _fire(c, slot):
        pltpu.async_copy(mm_hbm.at[pl.ds(c * _RC, _RC), :], ibs[slot],
                         sems[slot])

    def _process(c, slot):
        ib = ibs[slot]
        pltpu.make_async_copy(mm_hbm.at[pl.ds(c * _RC, _RC), :], ib,
                              sems[slot]).wait()

        @plsc.parallel_loop(0, _NG, unroll=16)
        def _grp(g):
            a0, a1 = z, z
            for r in range(_RC):
                pv = plsc.load_gather(shard_v, [ib[r, pl.ds(g * _LANES, _LANES)]])
                a0 = a0 + ((pv << 16) >> 16)
                a1 = a1 + (pv >> 16)
            plsc.addupdate(out_v.at[0, pl.ds(g * _LANES, _LANES)], a0)
            plsc.addupdate(out_v.at[1, pl.ds(g * _LANES, _LANES)], a1)

    _fire(0, 0)

    @pl.loop(0, _NCH, step=2)
    def _chunk2(c0):
        _fire(c0 + 1, 1)
        _process(c0, 0)

        @pl.when(c0 + 2 < _NCH)
        def _():
            _fire(c0 + 2, 0)

        _process(c0 + 1, 1)

    pltpu.sync_copy(out_v.at[0], out_hbm.at[t])
    pltpu.sync_copy(out_v.at[1], out_hbm.at[t + _NW])


@functools.cache
def _make_sc_call():
    return functools.partial(
        pl.kernel,
        out_type=jax.ShapeDtypeStruct((N_COMMS, BATCH), jnp.int32),
        mesh=plsc.VectorSubcoreMesh(
            core_axis_name="c", subcore_axis_name="s", num_cores=_NC, num_subcores=_NS
        ),
        compiler_params=pltpu.CompilerParams(
            needs_layout_passes=False, use_tc_tiling_on_sc=False
        ),
        scratch_types=[
            pltpu.VMEM((_VW,), jnp.int32),
            pltpu.VMEM((_RC, BATCH), jnp.int32),
            pltpu.VMEM((_RC, BATCH), jnp.int32),
            pltpu.VMEM((2, BATCH), jnp.int32),
            pltpu.SemaphoreType.DMA,
            pltpu.SemaphoreType.DMA,
        ],
    )(_sc_body)


def kernel(m, m_lens, unigram_freq, comm_N):
    packed, mm = _tab_call(unigram_freq, unigram_freq,
                           comm_N.reshape(N_COMMS, 1), m,
                           m_lens.reshape(1, BATCH))
    nll = _make_sc_call()(packed, mm)
    return _smax_call(nll)

# --- scband reference (transcript-rebuilt; emitter-appended) ---
"""Pipeline reference for scband-naive-bayes-unigram-12017318494514 (READ-ONLY COPY).

The authoritative reference and input builder live on the scoring server;
editing this copy changes nothing except your own understanding.
"""

import jax, jax.numpy as jnp
import numpy as np

VOCAB_SIZE = 100000
N_COMMS = 64
ALPHA = 0.01
SEQ_LEN = 200
BATCH = 1024


def exp_normalize(x, axis):
    b = jnp.max(x, axis=axis, keepdims=True)
    y = jnp.exp(x - b)
    return y / jnp.sum(y, axis=axis, keepdims=True)


def setup_inputs(seed: int = 0) -> dict:
    key = jax.random.key(seed)
    k1, k2, k3, k4 = jax.random.split(key, 4)
    m = jax.random.randint(k1, (SEQ_LEN, BATCH), 0, VOCAB_SIZE)
    m_lens = jax.random.randint(k2, (BATCH,), 0, SEQ_LEN)
    # learned (buffer) parameters sized per init_kwargs
    unigram_freq = jax.random.uniform(k3, (N_COMMS, VOCAB_SIZE), dtype=jnp.float32)
    comm_N = jax.random.uniform(k4, (N_COMMS,), dtype=jnp.float32) * 1000.0 + 100.0
    return {"m": m, "m_lens": m_lens, "unigram_freq": unigram_freq, "comm_N": comm_N}


def reference(m, m_lens, unigram_freq, comm_N):
    # Faithful vectorized translation of NaiveBayesUnigram.infer_comm:
    # for each community c, message_cross_entropy_laplace(m, m_lens, repeat(c)),
    # stacked over communities, then exp_normalize(-nlls, axis=-1).
    L, B = m.shape
    denom = comm_N + VOCAB_SIZE * ALPHA                      # [C]
    # gather: unigram_freq[:, m] -> [C, L, B]  (per-comm token frequencies)
    p = jnp.take(unigram_freq, m, axis=1) * comm_N[:, None, None]
    p = jnp.where(p == 0.0, ALPHA, p)
    pad_mask = (jnp.arange(L)[:, None] < m_lens[None, :]).astype(jnp.float32)  # [L, B]
    logp = jnp.log(p / denom[:, None, None])                 # [C, L, B]
    nlls = -(logp * pad_mask[None, :, :]).sum(axis=1)        # [C, B]
    nlls = nlls.T                                            # [B, C]
    return exp_normalize(-nlls, axis=-1)

if __name__ == "__main__":
    import jax
    _d = setup_inputs()
    print(jax.jit(kernel)(*tuple(_d.values())))

</pallas_src>

<mosaic_0001>
#map = affine_map<(d0, d1) -> (0, 0)>
module attributes {stable_mosaic.version = 14 : i64} {
  func.func @_sc_body(%arg0: i32, %arg1: i32, %arg2: memref<32x100096xi32, #tpu.memory_space<hbm>>, %arg3: memref<200x1024xi32, #tpu.memory_space<hbm>>, %arg4: memref<64x1024xi32, #tpu.memory_space<hbm>>, %arg5: memref<100096xi32, #tpu.memory_space<vmem>>, %arg6: memref<10x1024xi32, #tpu.memory_space<vmem>>, %arg7: memref<10x1024xi32, #tpu.memory_space<vmem>>, %arg8: memref<2x1024xi32, #tpu.memory_space<vmem>>, %arg9: memref<!tpu.dma_semaphore, #tpu.memory_space<semaphore_mem>>, %arg10: memref<!tpu.dma_semaphore, #tpu.memory_space<semaphore_mem>>) attributes {dimension_semantics = [#tpu.dimension_semantics<core_parallel>, #tpu.dimension_semantics<subcore_parallel>], iteration_bounds = array<i64: 2, 16>, scalar_prefetch = 0 : i64, scratch_operands = 6 : i64, tpu.core_type = #tpu.core_type<sc_vector_subcore>, window_params = [{transform_indices = #map}, {transform_indices = #map}, {transform_indices = #map}]} {
    %mul3A = arith.constant 2 : i32
    %mul3A_0 = arith.muli %arg1, %mul3A : i32
    %add3A = arith.addi %mul3A_0, %arg0 : i32
    "tpu.region"() ({
      %run_scoped3A_19 = tpu.sem_alloc : memref<!tpu.dma_semaphore, #tpu.memory_space<semaphore_mem>>
      %dma_start3A_20 = arith.constant 0 : i32
      %dma_start3A_21 = tpu.memref_slice %arg2[%add3A, %dma_start3A_20] : memref<32x100096xi32, #tpu.memory_space<hbm>> -> memref<1x100096xi32, #tpu.memory_space<hbm>>
      %dma_start3A_22 = tpu.memref_squeeze %dma_start3A_21 : memref<1x100096xi32, #tpu.memory_space<hbm>> -> memref<100096xi32, #tpu.memory_space<hbm>>
      %dma_start3A_23 = arith.constant 0 : i32
      %dma_start3A_24 = tpu.memref_slice %arg2[%add3A, %dma_start3A_23] : memref<32x100096xi32, #tpu.memory_space<hbm>> -> memref<1x100096xi32, #tpu.memory_space<hbm>>
      %dma_start3A_25 = tpu.memref_squeeze %dma_start3A_24 : memref<1x100096xi32, #tpu.memory_space<hbm>> -> memref<100096xi32, #tpu.memory_space<hbm>>
      tpu.enqueue_dma source(%dma_start3A_25 : memref<100096xi32, #tpu.memory_space<hbm>>) target(%arg5 : memref<100096xi32, #tpu.memory_space<vmem>>) target_semaphore(%run_scoped3A_19 : memref<!tpu.dma_semaphore, #tpu.memory_space<semaphore_mem>>)
      %dma_wait3A = arith.constant 0 : i32
      %dma_wait3A_26 = tpu.memref_slice %arg2[%add3A, %dma_wait3A] : memref<32x100096xi32, #tpu.memory_space<hbm>> -> memref<1x100096xi32, #tpu.memory_space<hbm>>
      %dma_wait3A_27 = tpu.memref_squeeze %dma_wait3A_26 : memref<1x100096xi32, #tpu.memory_space<hbm>> -> memref<100096xi32, #tpu.memory_space<hbm>>
      %dma_wait3A_28 = arith.constant 0 : i32
      %dma_wait3A_29 = tpu.memref_slice %arg2[%add3A, %dma_wait3A_28] : memref<32x100096xi32, #tpu.memory_space<hbm>> -> memref<1x100096xi32, #tpu.memory_space<hbm>>
      %dma_wait3A_30 = tpu.memref_squeeze %dma_wait3A_29 : memref<1x100096xi32, #tpu.memory_space<hbm>> -> memref<100096xi32, #tpu.memory_space<hbm>>
      tpu.wait_dma2 semaphore(%run_scoped3A_19 : memref<!tpu.dma_semaphore, #tpu.memory_space<semaphore_mem>>) src(%dma_wait3A_30 : memref<100096xi32, #tpu.memory_space<hbm>>) dst(%arg5 : memref<100096xi32, #tpu.memory_space<vmem>>)
      tpu.yield
    }) : () -> ()
    %broadcast_in_dim3A = arith.constant 0 : i32
    %broadcast_in_dim3A_1 = vector.broadcast %broadcast_in_dim3A : i32 to vector<16xi32>
    %scan3A = arith.constant 0 : i32
    %scan3A_2 = arith.constant 64 : i32
    %scan3A_3 = arith.addi %scan3A, %scan3A_2 : i32
    %scan3A_4 = arith.constant 1 : i32
    scf.for %scan3A_19 = %scan3A to %scan3A_3 step %scan3A_4  : i32 {
      %mul3A_20 = arith.constant 1 : i32
      %mul3A_21 = arith.muli %scan3A_19, %mul3A_20 : i32
      %add3A_22 = arith.constant 0 : i32
      %add3A_23 = arith.addi %add3A_22, %mul3A_21 : i32
      %mul3A_24 = arith.constant 16 : i32
      %mul3A_25 = arith.muli %add3A_23, %mul3A_24 : i32
      %swap3A = arith.constant 0 : i32
      %swap3A_26 = arith.index_cast %swap3A : i32 to index
      %swap3A_27 = arith.index_cast %mul3A_25 : i32 to index
      %swap3A_28 = tpu.vector_load %arg8[%swap3A_26, %swap3A_27] {strides = array<i32>} : memref<2x1024xi32, #tpu.memory_space<vmem>>, vector<16xi32>,
      tpu.vector_store %arg8[%swap3A_26, %swap3A_27], %broadcast_in_dim3A_1 {strides = array<i32>} : memref<2x1024xi32, #tpu.memory_space<vmem>>, vector<16xi32>,
      %mul3A_29 = arith.constant 16 : i32
      %mul3A_30 = arith.muli %add3A_23, %mul3A_29 : i32
      %swap3A_31 = arith.constant 1 : i32
      %swap3A_32 = arith.index_cast %swap3A_31 : i32 to index
      %swap3A_33 = arith.index_cast %mul3A_30 : i32 to index
      %swap3A_34 = tpu.vector_load %arg8[%swap3A_32, %swap3A_33] {strides = array<i32>} : memref<2x1024xi32, #tpu.memory_space<vmem>>, vector<16xi32>,
      tpu.vector_store %arg8[%swap3A_32, %swap3A_33], %broadcast_in_dim3A_1 {strides = array<i32>} : memref<2x1024xi32, #tpu.memory_space<vmem>>, vector<16xi32>,
    }
    %scan3A_5 = arith.constant 64 : i32
    %dma_start3A = arith.constant 0 : i32
    %dma_start3A_6 = arith.constant 0 : i32
    %dma_start3A_7 = tpu.memref_slice %arg3[%dma_start3A, %dma_start3A_6] : memref<200x1024xi32, #tpu.memory_space<hbm>> -> memref<10x1024xi32, #tpu.memory_space<hbm>>
    %dma_start3A_8 = arith.constant 0 : i32
    %dma_start3A_9 = arith.constant 0 : i32
    %dma_start3A_10 = tpu.memref_slice %arg3[%dma_start3A_8, %dma_start3A_9] : memref<200x1024xi32, #tpu.memory_space<hbm>> -> memref<10x1024xi32, #tpu.memory_space<hbm>>
    tpu.enqueue_dma source(%dma_start3A_10 : memref<10x1024xi32, #tpu.memory_space<hbm>>) target(%arg6 : memref<10x1024xi32, #tpu.memory_space<vmem>>) target_semaphore(%arg9 : memref<!tpu.dma_semaphore, #tpu.memory_space<semaphore_mem>>)
    %scan3A_11 = arith.constant 0 : i32
    %scan3A_12 = arith.constant 10 : i32
    %scan3A_13 = arith.addi %scan3A_11, %scan3A_12 : i32
    %scan3A_14 = arith.constant 1 : i32
    scf.for %scan3A_19 = %scan3A_11 to %scan3A_13 step %scan3A_14  : i32 {
      %mul3A_20 = arith.constant 2 : i32
      %mul3A_21 = arith.muli %scan3A_19, %mul3A_20 : i32
      %add3A_22 = arith.constant 0 : i32
      %add3A_23 = arith.addi %add3A_22, %mul3A_21 : i32
      %add3A_24 = arith.constant 1 : i32
      %add3A_25 = arith.addi %add3A_23, %add3A_24 : i32
      %mul3A_26 = arith.constant 10 : i32
      %mul3A_27 = arith.muli %add3A_25, %mul3A_26 : i32
      %dma_start3A_28 = arith.constant 0 : i32
      %dma_start3A_29 = tpu.memref_slice %arg3[%mul3A_27, %dma_start3A_28] : memref<200x1024xi32, #tpu.memory_space<hbm>> -> memref<10x1024xi32, #tpu.memory_space<hbm>>
      %dma_start3A_30 = arith.constant 0 : i32
      %dma_start3A_31 = tpu.memref_slice %arg3[%mul3A_27, %dma_start3A_30] : memref<200x1024xi32, #tpu.memory_space<hbm>> -> memref<10x1024xi32, #tpu.memory_space<hbm>>
      tpu.enqueue_dma source(%dma_start3A_31 : memref<10x1024xi32, #tpu.memory_space<hbm>>) target(%arg7 : memref<10x1024xi32, #tpu.memory_space<vmem>>) target_semaphore(%arg10 : memref<!tpu.dma_semaphore, #tpu.memory_space<semaphore_mem>>)
      %mul3A_32 = arith.constant 10 : i32
      %mul3A_33 = arith.muli %add3A_23, %mul3A_32 : i32
      %dma_wait3A = arith.constant 0 : i32
      %dma_wait3A_34 = tpu.memref_slice %arg3[%mul3A_33, %dma_wait3A] : memref<200x1024xi32, #tpu.memory_space<hbm>> -> memref<10x1024xi32, #tpu.memory_space<hbm>>
      %dma_wait3A_35 = arith.constant 0 : i32
      %dma_wait3A_36 = tpu.memref_slice %arg3[%mul3A_33, %dma_wait3A_35] : memref<200x1024xi32, #tpu.memory_space<hbm>> -> memref<10x1024xi32, #tpu.memory_space<hbm>>
      tpu.wait_dma2 semaphore(%arg9 : memref<!tpu.dma_semaphore, #tpu.memory_space<semaphore_mem>>) src(%dma_wait3A_36 : memref<10x1024xi32, #tpu.memory_space<hbm>>) dst(%arg6 : memref<10x1024xi32, #tpu.memory_space<vmem>>)
      %parallel_loop3A = arith.constant 0 : i32
      %parallel_loop3A_37 = arith.constant 64 : i32
      %parallel_loop3A_38 = arith.constant 1 : i32
      scf.for %parallel_loop3A_54 = %parallel_loop3A to %parallel_loop3A_37 step %parallel_loop3A_38  : i32 {
        %parallel_loop3A_55 = arith.constant 16 : i32
        %parallel_loop3A_56 = arith.muli %parallel_loop3A_54, %parallel_loop3A_55 : i32
        %parallel_loop3A_57 = arith.constant 0 : i32
        %parallel_loop3A_58 = arith.index_cast %parallel_loop3A_57 : i32 to index
        %parallel_loop3A_59 = arith.index_cast %parallel_loop3A_56 : i32 to index
        %parallel_loop3A_60 = tpu.vector_load %arg6[%parallel_loop3A_58, %parallel_loop3A_59] {strides = array<i32>} : memref<10x1024xi32, #tpu.memory_space<vmem>>, vector<16xi32>,
        %parallel_loop3A_61 = tpu.vector_load_idx %arg5[%parallel_loop3A_60] : memref<100096xi32, #tpu.memory_space<vmem>>[vector<16xi32>], vector<16xi32>,
        %parallel_loop3A_62 = arith.constant 16 : i32
        %parallel_loop3A_63 = vector.broadcast %parallel_loop3A_62 : i32 to vector<16xi32>
        %parallel_loop3A_64 = arith.shli %parallel_loop3A_61, %parallel_loop3A_63 : vector<16xi32>
        %parallel_loop3A_65 = arith.constant 16 : i32
        %parallel_loop3A_66 = vector.broadcast %parallel_loop3A_65 : i32 to vector<16xi32>
        %parallel_loop3A_67 = arith.shrsi %parallel_loop3A_64, %parallel_loop3A_66 : vector<16xi32>
        %parallel_loop3A_68 = arith.addi %broadcast_in_dim3A_1, %parallel_loop3A_67 : vector<16xi32>
        %parallel_loop3A_69 = arith.constant 16 : i32
        %parallel_loop3A_70 = vector.broadcast %parallel_loop3A_69 : i32 to vector<16xi32>
        %parallel_loop3A_71 = arith.shrsi %parallel_loop3A_61, %parallel_loop3A_70 : vector<16xi32>
        %parallel_loop3A_72 = arith.addi %broadcast_in_dim3A_1, %parallel_loop3A_71 : vector<16xi32>
        %parallel_loop3A_73 = arith.constant 16 : i32
        %parallel_loop3A_74 = arith.muli %parallel_loop3A_54, %parallel_loop3A_73 : i32
        %parallel_loop3A_75 = arith.constant 1 : i32
        %parallel_loop3A_76 = arith.index_cast %parallel_loop3A_75 : i32 to index
        %parallel_loop3A_77 = arith.index_cast %parallel_loop3A_74 : i32 to index
        %parallel_loop3A_78 = tpu.vector_load %arg6[%parallel_loop3A_76, %parallel_loop3A_77] {strides = array<i32>} : memref<10x1024xi32, #tpu.memory_space<vmem>>, vector<16xi32>,
        %parallel_loop3A_79 = tpu.vector_load_idx %arg5[%parallel_loop3A_78] : memref<100096xi32, #tpu.memory_space<vmem>>[vector<16xi32>], vector<16xi32>,
        %parallel_loop3A_80 = arith.constant 16 : i32
        %parallel_loop3A_81 = vector.broadcast %parallel_loop3A_80 : i32 to vector<16xi32>
        %parallel_loop3A_82 = arith.shli %parallel_loop3A_79, %parallel_loop3A_81 : vector<16xi32>
        %parallel_loop3A_83 = arith.constant 16 : i32
        %parallel_loop3A_84 = vector.broadcast %parallel_loop3A_83 : i32 to vector<16xi32>
        %parallel_loop3A_85 = arith.shrsi %parallel_loop3A_82, %parallel_loop3A_84 : vector<16xi32>
        %parallel_loop3A_86 = arith.addi %parallel_loop3A_68, %parallel_loop3A_85 : vector<16xi32>
        %parallel_loop3A_87 = arith.constant 16 : i32
        %parallel_loop3A_88 = vector.broadcast %parallel_loop3A_87 : i32 to vector<16xi32>
        %parallel_loop3A_89 = arith.shrsi %parallel_loop3A_79, %parallel_loop3A_88 : vector<16xi32>
        %parallel_loop3A_90 = arith.addi %parallel_loop3A_72, %parallel_loop3A_89 : vector<16xi32>
        %parallel_loop3A_91 = arith.constant 16 : i32
        %parallel_loop3A_92 = arith.muli %parallel_loop3A_54, %parallel_loop3A_91 : i32
        %parallel_loop3A_93 = arith.constant 2 : i32
        %parallel_loop3A_94 = arith.index_cast %parallel_loop3A_93 : i32 to index
        %parallel_loop3A_95 = arith.index_cast %parallel_loop3A_92 : i32 to index
        %parallel_loop3A_96 = tpu.vector_load %arg6[%parallel_loop3A_94, %parallel_loop3A_95] {strides = array<i32>} : memref<10x1024xi32, #tpu.memory_space<vmem>>, vector<16xi32>,
        %parallel_loop3A_97 = tpu.vector_load_idx %arg5[%parallel_loop3A_96] : memref<100096xi32, #tpu.memory_space<vmem>>[vector<16xi32>], vector<16xi32>,
        %parallel_loop3A_98 = arith.constant 16 : i32
        %parallel_loop3A_99 = vector.broadcast %parallel_loop3A_98 : i32 to vector<16xi32>
        %parallel_loop3A_100 = arith.shli %parallel_loop3A_97, %parallel_loop3A_99 : vector<16xi32>
        %parallel_loop3A_101 = arith.constant 16 : i32
        %parallel_loop3A_102 = vector.broadcast %parallel_loop3A_101 : i32 to vector<16xi32>
        %parallel_loop3A_103 = arith.shrsi %parallel_loop3A_100, %parallel_loop3A_102 : vector<16xi32>
        %parallel_loop3A_104 = arith.addi %parallel_loop3A_86, %parallel_loop3A_103 : vector<16xi32>
        %parallel_loop3A_105 = arith.constant 16 : i32
        %parallel_loop3A_106 = vector.broadcast %parallel_loop3A_105 : i32 to vector<16xi32>
        %parallel_loop3A_107 = arith.shrsi %parallel_loop3A_97, %parallel_loop3A_106 : vector<16xi32>
        %parallel_loop3A_108 = arith.addi %parallel_loop3A_90, %parallel_loop3A_107 : vector<16xi32>
        %parallel_loop3A_109 = arith.constant 16 : i32
        %parallel_loop3A_110 = arith.muli %parallel_loop3A_54, %parallel_loop3A_109 : i32
        %parallel_loop3A_111 = arith.constant 3 : i32
        %parallel_loop3A_112 = arith.index_cast %parallel_loop3A_111 : i32 to index
        %parallel_loop3A_113 = arith.index_cast %parallel_loop3A_110 : i32 to index
        %parallel_loop3A_114 = tpu.vector_load %arg6[%parallel_loop3A_112, %parallel_loop3A_113] {strides = array<i32>} : memref<10x1024xi32, #tpu.memory_space<vmem>>, vector<16xi32>,
        %parallel_loop3A_115 = tpu.vector_load_idx %arg5[%parallel_loop3A_114] : memref<100096xi32, #tpu.memory_space<vmem>>[vector<16xi32>], vector<16xi32>,
        %parallel_loop3A_116 = arith.constant 16 : i32
        %parallel_loop3A_117 = vector.broadcast %parallel_loop3A_116 : i32 to vector<16xi32>
        %parallel_loop3A_118 = arith.shli %parallel_loop3A_115, %parallel_loop3A_117 : vector<16xi32>
        %parallel_loop3A_119 = arith.constant 16 : i32
        %parallel_loop3A_120 = vector.broadcast %parallel_loop3A_119 : i32 to vector<16xi32>
        %parallel_loop3A_121 = arith.shrsi %parallel_loop3A_118, %parallel_loop3A_120 : vector<16xi32>
        %parallel_loop3A_122 = arith.addi %parallel_loop3A_104, %parallel_loop3A_121 : vector<16xi32>
        %parallel_loop3A_123 = arith.constant 16 : i32
        %parallel_loop3A_124 = vector.broadcast %parallel_loop3A_123 : i32 to vector<16xi32>
        %parallel_loop3A_125 = arith.shrsi %parallel_loop3A_115, %parallel_loop3A_124 : vector<16xi32>
        %parallel_loop3A_126 = arith.addi %parallel_loop3A_108, %parallel_loop3A_125 : vector<16xi32>
        %parallel_loop3A_127 = arith.constant 16 : i32
        %parallel_loop3A_128 = arith.muli %parallel_loop3A_54, %parallel_loop3A_127 : i32
        %parallel_loop3A_129 = arith.constant 4 : i32
        %parallel_loop3A_130 = arith.index_cast %parallel_loop3A_129 : i32 to index
        %parallel_loop3A_131 = arith.index_cast %parallel_loop3A_128 : i32 to index
        %parallel_loop3A_132 = tpu.vector_load %arg6[%parallel_loop3A_130, %parallel_loop3A_131] {strides = array<i32>} : memref<10x1024xi32, #tpu.memory_space<vmem>>, vector<16xi32>,
        %parallel_loop3A_133 = tpu.vector_load_idx %arg5[%parallel_loop3A_132] : memref<100096xi32, #tpu.memory_space<vmem>>[vector<16xi32>], vector<16xi32>,
        %parallel_loop3A_134 = arith.constant 16 : i32
        %parallel_loop3A_135 = vector.broadcast %parallel_loop3A_134 : i32 to vector<16xi32>
        %parallel_loop3A_136 = arith.shli %parallel_loop3A_133, %parallel_loop3A_135 : vector<16xi32>
        %parallel_loop3A_137 = arith.constant 16 : i32
        %parallel_loop3A_138 = vector.broadcast %parallel_loop3A_137 : i32 to vector<16xi32>
        %parallel_loop3A_139 = arith.shrsi %parallel_loop3A_136, %parallel_loop3A_138 : vector<16xi32>
        %parallel_loop3A_140 = arith.addi %parallel_loop3A_122, %parallel_loop3A_139 : vector<16xi32>
        %parallel_loop3A_141 = arith.constant 16 : i32
        %parallel_loop3A_142 = vector.broadcast %parallel_loop3A_141 : i32 to vector<16xi32>
        %parallel_loop3A_143 = arith.shrsi %parallel_loop3A_133, %parallel_loop3A_142 : vector<16xi32>
        %parallel_loop3A_144 = arith.addi %parallel_loop3A_126, %parallel_loop3A_143 : vector<16xi32>
        %parallel_loop3A_145 = arith.constant 16 : i32
        %parallel_loop3A_146 = arith.muli %parallel_loop3A_54, %parallel_loop3A_145 : i32
        %parallel_loop3A_147 = arith.constant 5 : i32
        %parallel_loop3A_148 = arith.index_cast %parallel_loop3A_147 : i32 to index
        %parallel_loop3A_149 = arith.index_cast %parallel_loop3A_146 : i32 to index
        %parallel_loop3A_150 = tpu.vector_load %arg6[%parallel_loop3A_148, %parallel_loop3A_149] {strides = array<i32>} : memref<10x1024xi32, #tpu.memory_space<vmem>>, vector<16xi32>,
        %parallel_loop3A_151 = tpu.vector_load_idx %arg5[%parallel_loop3A_150] : memref<100096xi32, #tpu.memory_space<vmem>>[vector<16xi32>], vector<16xi32>,
        %parallel_loop3A_152 = arith.constant 16 : i32
        %parallel_loop3A_153 = vector.broadcast %parallel_loop3A_152 : i32 to vector<16xi32>
        %parallel_loop3A_154 = arith.shli %parallel_loop3A_151, %parallel_loop3A_153 : vector<16xi32>
        %parallel_loop3A_155 = arith.constant 16 : i32
        %parallel_loop3A_156 = vector.broadcast %parallel_loop3A_155 : i32 to vector<16xi32>
        %parallel_loop3A_157 = arith.shrsi %parallel_loop3A_154, %parallel_loop3A_156 : vector<16xi32>
        %parallel_loop3A_158 = arith.addi %parallel_loop3A_140, %parallel_loop3A_157 : vector<16xi32>
        %parallel_loop3A_159 = arith.constant 16 : i32
        %parallel_loop3A_160 = vector.broadcast %parallel_loop3A_159 : i32 to vector<16xi32>
        %parallel_loop3A_161 = arith.shrsi %parallel_loop3A_151, %parallel_loop3A_160 : vector<16xi32>
        %parallel_loop3A_162 = arith.addi %parallel_loop3A_144, %parallel_loop3A_161 : vector<16xi32>
        %parallel_loop3A_163 = arith.constant 16 : i32
        %parallel_loop3A_164 = arith.muli %parallel_loop3A_54, %parallel_loop3A_163 : i32
        %parallel_loop3A_165 = arith.constant 6 : i32
        %parallel_loop3A_166 = arith.index_cast %parallel_loop3A_165 : i32 to index
        %parallel_loop3A_167 = arith.index_cast %parallel_loop3A_164 : i32 to index
        %parallel_loop3A_168 = tpu.vector_load %arg6[%parallel_loop3A_166, %parallel_loop3A_167] {strides = array<i32>} : memref<10x1024xi32, #tpu.memory_space<vmem>>, vector<16xi32>,
        %parallel_loop3A_169 = tpu.vector_load_idx %arg5[%parallel_loop3A_168] : memref<100096xi32, #tpu.memory_space<vmem>>[vector<16xi32>], vector<16xi32>,
        %parallel_loop3A_170 = arith.constant 16 : i32
        %parallel_loop3A_171 = vector.broadcast %parallel_loop3A_170 : i32 to vector<16xi32>
        %parallel_loop3A_172 = arith.shli %parallel_loop3A_169, %parallel_loop3A_171 : vector<16xi32>
        %parallel_loop3A_173 = arith.constant 16 : i32
        %parallel_loop3A_174 = vector.broadcast %parallel_loop3A_173 : i32 to vector<16xi32>
        %parallel_loop3A_175 = arith.shrsi %parallel_loop3A_172, %parallel_loop3A_174 : vector<16xi32>
        %parallel_loop3A_176 = arith.addi %parallel_loop3A_158, %parallel_loop3A_175 : vector<16xi32>
        %parallel_loop3A_177 = arith.constant 16 : i32
        %parallel_loop3A_178 = vector.broadcast %parallel_loop3A_177 : i32 to vector<16xi32>
        %parallel_loop3A_179 = arith.shrsi %parallel_loop3A_169, %parallel_loop3A_178 : vector<16xi32>
        %parallel_loop3A_180 = arith.addi %parallel_loop3A_162, %parallel_loop3A_179 : vector<16xi32>
        %parallel_loop3A_181 = arith.constant 16 : i32
        %parallel_loop3A_182 = arith.muli %parallel_loop3A_54, %parallel_loop3A_181 : i32
        %parallel_loop3A_183 = arith.constant 7 : i32
        %parallel_loop3A_184 = arith.index_cast %parallel_loop3A_183 : i32 to index
        %parallel_loop3A_185 = arith.index_cast %parallel_loop3A_182 : i32 to index
        %parallel_loop3A_186 = tpu.vector_load %arg6[%parallel_loop3A_184, %parallel_loop3A_185] {strides = array<i32>} : memref<10x1024xi32, #tpu.memory_space<vmem>>, vector<16xi32>,
        %parallel_loop3A_187 = tpu.vector_load_idx %arg5[%parallel_loop3A_186] : memref<100096xi32, #tpu.memory_space<vmem>>[vector<16xi32>], vector<16xi32>,
        %parallel_loop3A_188 = arith.constant 16 : i32
        %parallel_loop3A_189 = vector.broadcast %parallel_loop3A_188 : i32 to vector<16xi32>
        %parallel_loop3A_190 = arith.shli %parallel_loop3A_187, %parallel_loop3A_189 : vector<16xi32>
        %parallel_loop3A_191 = arith.constant 16 : i32
        %parallel_loop3A_192 = vector.broadcast %parallel_loop3A_191 : i32 to vector<16xi32>
        %parallel_loop3A_193 = arith.shrsi %parallel_loop3A_190, %parallel_loop3A_192 : vector<16xi32>
        %parallel_loop3A_194 = arith.addi %parallel_loop3A_176, %parallel_loop3A_193 : vector<16xi32>
        %parallel_loop3A_195 = arith.constant 16 : i32
        %parallel_loop3A_196 = vector.broadcast %parallel_loop3A_195 : i32 to vector<16xi32>
        %parallel_loop3A_197 = arith.shrsi %parallel_loop3A_187, %parallel_loop3A_196 : vector<16xi32>
        %parallel_loop3A_198 = arith.addi %parallel_loop3A_180, %parallel_loop3A_197 : vector<16xi32>
        %parallel_loop3A_199 = arith.constant 16 : i32
        %parallel_loop3A_200 = arith.muli %parallel_loop3A_54, %parallel_loop3A_199 : i32
        %parallel_loop3A_201 = arith.constant 8 : i32
        %parallel_loop3A_202 = arith.index_cast %parallel_loop3A_201 : i32 to index
        %parallel_loop3A_203 = arith.index_cast %parallel_loop3A_200 : i32 to index
        %parallel_loop3A_204 = tpu.vector_load %arg6[%parallel_loop3A_202, %parallel_loop3A_203] {strides = array<i32>} : memref<10x1024xi32, #tpu.memory_space<vmem>>, vector<16xi32>,
        %parallel_loop3A_205 = tpu.vector_load_idx %arg5[%parallel_loop3A_204] : memref<100096xi32, #tpu.memory_space<vmem>>[vector<16xi32>], vector<16xi32>,
        %parallel_loop3A_206 = arith.constant 16 : i32
        %parallel_loop3A_207 = vector.broadcast %parallel_loop3A_206 : i32 to vector<16xi32>
        %parallel_loop3A_208 = arith.shli %parallel_loop3A_205, %parallel_loop3A_207 : vector<16xi32>
        %parallel_loop3A_209 = arith.constant 16 : i32
        %parallel_loop3A_210 = vector.broadcast %parallel_loop3A_209 : i32 to vector<16xi32>
        %parallel_loop3A_211 = arith.shrsi %parallel_loop3A_208, %parallel_loop3A_210 : vector<16xi32>
        %parallel_loop3A_212 = arith.addi %parallel_loop3A_194, %parallel_loop3A_211 : vector<16xi32>
        %parallel_loop3A_213 = arith.constant 16 : i32
        %parallel_loop3A_214 = vector.broadcast %parallel_loop3A_213 : i32 to vector<16xi32>
        %parallel_loop3A_215 = arith.shrsi %parallel_loop3A_205, %parallel_loop3A_214 : vector<16xi32>
        %parallel_loop3A_216 = arith.addi %parallel_loop3A_198, %parallel_loop3A_215 : vector<16xi32>
        %parallel_loop3A_217 = arith.constant 16 : i32
        %parallel_loop3A_218 = arith.muli %parallel_loop3A_54, %parallel_loop3A_217 : i32
        %parallel_loop3A_219 = arith.constant 9 : i32
        %parallel_loop3A_220 = arith.index_cast %parallel_loop3A_219 : i32 to index
        %parallel_loop3A_221 = arith.index_cast %parallel_loop3A_218 : i32 to index
        %parallel_loop3A_222 = tpu.vector_load %arg6[%parallel_loop3A_220, %parallel_loop3A_221] {strides = array<i32>} : memref<10x1024xi32, #tpu.memory_space<vmem>>, vector<16xi32>,
        %parallel_loop3A_223 = tpu.vector_load_idx %arg5[%parallel_loop3A_222] : memref<100096xi32, #tpu.memory_space<vmem>>[vector<16xi32>], vector<16xi32>,
        %parallel_loop3A_224 = arith.constant 16 : i32
        %parallel_loop3A_225 = vector.broadcast %parallel_loop3A_224 : i32 to vector<16xi32>
        %parallel_loop3A_226 = arith.shli %parallel_loop3A_223, %parallel_loop3A_225 : vector<16xi32>
        %parallel_loop3A_227 = arith.constant 16 : i32
        %parallel_loop3A_228 = vector.broadcast %parallel_loop3A_227 : i32 to vector<16xi32>
        %parallel_loop3A_229 = arith.shrsi %parallel_loop3A_226, %parallel_loop3A_228 : vector<16xi32>
        %parallel_loop3A_230 = arith.addi %parallel_loop3A_212, %parallel_loop3A_229 : vector<16xi32>
        %parallel_loop3A_231 = arith.constant 16 : i32
        %parallel_loop3A_232 = vector.broadcast %parallel_loop3A_231 : i32 to vector<16xi32>
        %parallel_loop3A_233 = arith.shrsi %parallel_loop3A_223, %parallel_loop3A_232 : vector<16xi32>
        %parallel_loop3A_234 = arith.addi %parallel_loop3A_216, %parallel_loop3A_233 : vector<16xi32>
        %parallel_loop3A_235 = arith.constant 16 : i32
        %parallel_loop3A_236 = arith.muli %parallel_loop3A_54, %parallel_loop3A_235 : i32
        %parallel_loop3A_237 = arith.constant 0 : i32
        %parallel_loop3A_238 = arith.index_cast %parallel_loop3A_237 : i32 to index
        %parallel_loop3A_239 = arith.index_cast %parallel_loop3A_236 : i32 to index
        %parallel_loop3A_240 = tpu.vector_load %arg8[%parallel_loop3A_238, %parallel_loop3A_239] {strides = array<i32>} : memref<2x1024xi32, #tpu.memory_space<vmem>>, vector<16xi32>,
        tpu.vector_store %arg8[%parallel_loop3A_238, %parallel_loop3A_239], %parallel_loop3A_230 {add = true, strides = array<i32>} : memref<2x1024xi32, #tpu.memory_space<vmem>>, vector<16xi32>,
        %parallel_loop3A_241 = arith.constant 16 : i32
        %parallel_loop3A_242 = arith.muli %parallel_loop3A_54, %parallel_loop3A_241 : i32
        %parallel_loop3A_243 = arith.constant 1 : i32
        %parallel_loop3A_244 = arith.index_cast %parallel_loop3A_243 : i32 to index
        %parallel_loop3A_245 = arith.index_cast %parallel_loop3A_242 : i32 to index
        %parallel_loop3A_246 = tpu.vector_load %arg8[%parallel_loop3A_244, %parallel_loop3A_245] {strides = array<i32>} : memref<2x1024xi32, #tpu.memory_space<vmem>>, vector<16xi32>,
        tpu.vector_store %arg8[%parallel_loop3A_244, %parallel_loop3A_245], %parallel_loop3A_234 {add = true, strides = array<i32>} : memref<2x1024xi32, #tpu.memory_space<vmem>>, vector<16xi32>,
      } {sc.loop_unroll_factor = 16 : i64, sc.parallel_access}
      %add3A_39 = arith.constant 2 : i32
      %add3A_40 = arith.addi %add3A_23, %add3A_39 : i32
      %lt3A = arith.constant 20 : i32
      %lt3A_41 = arith.cmpi slt, %add3A_40, %lt3A : i32
      %convert_element_type3A = arith.extui %lt3A_41 : i1 to i32
      %cond3A = arith.constant 0 : i32
      %cond3A_42 = arith.cmpi ne, %convert_element_type3A, %cond3A : i32
      scf.if %cond3A_42 {
        %add3A_54 = arith.constant 2 : i32
        %add3A_55 = arith.addi %add3A_23, %add3A_54 : i32
        %mul3A_56 = arith.constant 10 : i32
        %mul3A_57 = arith.muli %add3A_55, %mul3A_56 : i32
        %dma_start3A_58 = arith.constant 0 : i32
        %dma_start3A_59 = tpu.memref_slice %arg3[%mul3A_57, %dma_start3A_58] : memref<200x1024xi32, #tpu.memory_space<hbm>> -> memref<10x1024xi32, #tpu.memory_space<hbm>>
        %dma_start3A_60 = arith.constant 0 : i32
        %dma_start3A_61 = tpu.memref_slice %arg3[%mul3A_57, %dma_start3A_60] : memref<200x1024xi32, #tpu.memory_space<hbm>> -> memref<10x1024xi32, #tpu.memory_space<hbm>>
        tpu.enqueue_dma source(%dma_start3A_61 : memref<10x1024xi32, #tpu.memory_space<hbm>>) target(%arg6 : memref<10x1024xi32, #tpu.memory_space<vmem>>) target_semaphore(%arg9 : memref<!tpu.dma_semaphore, #tpu.memory_space<semaphore_mem>>)
      } else {
      }
      %add3A_43 = arith.constant 1 : i32
      %add3A_44 = arith.addi %add3A_23, %add3A_43 : i32
      %mul3A_45 = arith.constant 10 : i32
      %mul3A_46 = arith.muli %add3A_44, %mul3A_45 : i32
      %dma_wait3A_47 = arith.constant 0 : i32
      %dma_wait3A_48 = tpu.memref_slice %arg3[%mul3A_46, %dma_wait3A_47] : memref<200x1024xi32, #tpu.memory_space<hbm>> -> memref<10x1024xi32, #tpu.memory_space<hbm>>
      %dma_wait3A_49 = arith.constant 0 : i32
      %dma_wait3A_50 = tpu.memref_slice %arg3[%mul3A_46, %dma_wait3A_49] : memref<200x1024xi32, #tpu.memory_space<hbm>> -> memref<10x1024xi32, #tpu.memory_space<hbm>>
      tpu.wait_dma2 semaphore(%arg10 : memref<!tpu.dma_semaphore, #tpu.memory_space<semaphore_mem>>) src(%dma_wait3A_50 : memref<10x1024xi32, #tpu.memory_space<hbm>>) dst(%arg7 : memref<10x1024xi32, #tpu.memory_space<vmem>>)
      %parallel_loop3A_51 = arith.constant 0 : i32
      %parallel_loop3A_52 = arith.constant 64 : i32
      %parallel_loop3A_53 = arith.constant 1 : i32
      scf.for %parallel_loop3A_54 = %parallel_loop3A_51 to %parallel_loop3A_52 step %parallel_loop3A_53  : i32 {
        %parallel_loop3A_55 = arith.constant 16 : i32
        %parallel_loop3A_56 = arith.muli %parallel_loop3A_54, %parallel_loop3A_55 : i32
        %parallel_loop3A_57 = arith.constant 0 : i32
        %parallel_loop3A_58 = arith.index_cast %parallel_loop3A_57 : i32 to index
        %parallel_loop3A_59 = arith.index_cast %parallel_loop3A_56 : i32 to index
        %parallel_loop3A_60 = tpu.vector_load %arg7[%parallel_loop3A_58, %parallel_loop3A_59] {strides = array<i32>} : memref<10x1024xi32, #tpu.memory_space<vmem>>, vector<16xi32>,
        %parallel_loop3A_61 = tpu.vector_load_idx %arg5[%parallel_loop3A_60] : memref<100096xi32, #tpu.memory_space<vmem>>[vector<16xi32>], vector<16xi32>,
        %parallel_loop3A_62 = arith.constant 16 : i32
        %parallel_loop3A_63 = vector.broadcast %parallel_loop3A_62 : i32 to vector<16xi32>
        %parallel_loop3A_64 = arith.shli %parallel_loop3A_61, %parallel_loop3A_63 : vector<16xi32>
        %parallel_loop3A_65 = arith.constant 16 : i32
        %parallel_loop3A_66 = vector.broadcast %parallel_loop3A_65 : i32 to vector<16xi32>
        %parallel_loop3A_67 = arith.shrsi %parallel_loop3A_64, %parallel_loop3A_66 : vector<16xi32>
        %parallel_loop3A_68 = arith.addi %broadcast_in_dim3A_1, %parallel_loop3A_67 : vector<16xi32>
        %parallel_loop3A_69 = arith.constant 16 : i32
        %parallel_loop3A_70 = vector.broadcast %parallel_loop3A_69 : i32 to vector<16xi32>
        %parallel_loop3A_71 = arith.shrsi %parallel_loop3A_61, %parallel_loop3A_70 : vector<16xi32>
        %parallel_loop3A_72 = arith.addi %broadcast_in_dim3A_1, %parallel_loop3A_71 : vector<16xi32>
        %parallel_loop3A_73 = arith.constant 16 : i32
        %parallel_loop3A_74 = arith.muli %parallel_loop3A_54, %parallel_loop3A_73 : i32
        %parallel_loop3A_75 = arith.constant 1 : i32
        %parallel_loop3A_76 = arith.index_cast %parallel_loop3A_75 : i32 to index
        %parallel_loop3A_77 = arith.index_cast %parallel_loop3A_74 : i32 to index
        %parallel_loop3A_78 = tpu.vector_load %arg7[%parallel_loop3A_76, %parallel_loop3A_77] {strides = array<i32>} : memref<10x1024xi32, #tpu.memory_space<vmem>>, vector<16xi32>,
        %parallel_loop3A_79 = tpu.vector_load_idx %arg5[%parallel_loop3A_78] : memref<100096xi32, #tpu.memory_space<vmem>>[vector<16xi32>], vector<16xi32>,
        %parallel_loop3A_80 = arith.constant 16 : i32
        %parallel_loop3A_81 = vector.broadcast %parallel_loop3A_80 : i32 to vector<16xi32>
        %parallel_loop3A_82 = arith.shli %parallel_loop3A_79, %parallel_loop3A_81 : vector<16xi32>
        %parallel_loop3A_83 = arith.constant 16 : i32
        %parallel_loop3A_84 = vector.broadcast %parallel_loop3A_83 : i32 to vector<16xi32>
        %parallel_loop3A_85 = arith.shrsi %parallel_loop3A_82, %parallel_loop3A_84 : vector<16xi32>
        %parallel_loop3A_86 = arith.addi %parallel_loop3A_68, %parallel_loop3A_85 : vector<16xi32>
        %parallel_loop3A_87 = arith.constant 16 : i32
        %parallel_loop3A_88 = vector.broadcast %parallel_loop3A_87 : i32 to vector<16xi32>
        %parallel_loop3A_89 = arith.shrsi %parallel_loop3A_79, %parallel_loop3A_88 : vector<16xi32>
        %parallel_loop3A_90 = arith.addi %parallel_loop3A_72, %parallel_loop3A_89 : vector<16xi32>
        %parallel_loop3A_91 = arith.constant 16 : i32
        %parallel_loop3A_92 = arith.muli %parallel_loop3A_54, %parallel_loop3A_91 : i32
        %parallel_loop3A_93 = arith.constant 2 : i32
        %parallel_loop3A_94 = arith.index_cast %parallel_loop3A_93 : i32 to index
        %parallel_loop3A_95 = arith.index_cast %parallel_loop3A_92 : i32 to index
        %parallel_loop3A_96 = tpu.vector_load %arg7[%parallel_loop3A_94, %parallel_loop3A_95] {strides = array<i32>} : memref<10x1024xi32, #tpu.memory_space<vmem>>, vector<16xi32>,
        %parallel_loop3A_97 = tpu.vector_load_idx %arg5[%parallel_loop3A_96] : memref<100096xi32, #tpu.memory_space<vmem>>[vector<16xi32>], vector<16xi32>,
        %parallel_loop3A_98 = arith.constant 16 : i32
        %parallel_loop3A_99 = vector.broadcast %parallel_loop3A_98 : i32 to vector<16xi32>
        %parallel_loop3A_100 = arith.shli %parallel_loop3A_97, %parallel_loop3A_99 : vector<16xi32>
        %parallel_loop3A_101 = arith.constant 16 : i32
        %parallel_loop3A_102 = vector.broadcast %parallel_loop3A_101 : i32 to vector<16xi32>
        %parallel_loop3A_103 = arith.shrsi %parallel_loop3A_100, %parallel_loop3A_102 : vector<16xi32>
        %parallel_loop3A_104 = arith.addi %parallel_loop3A_86, %parallel_loop3A_103 : vector<16xi32>
        %parallel_loop3A_105 = arith.constant 16 : i32
        %parallel_loop3A_106 = vector.broadcast %parallel_loop3A_105 : i32 to vector<16xi32>
        %parallel_loop3A_107 = arith.shrsi %parallel_loop3A_97, %parallel_loop3A_106 : vector<16xi32>
        %parallel_loop3A_108 = arith.addi %parallel_loop3A_90, %parallel_loop3A_107 : vector<16xi32>
        %parallel_loop3A_109 = arith.constant 16 : i32
        %parallel_loop3A_110 = arith.muli %parallel_loop3A_54, %parallel_loop3A_109 : i32
        %parallel_loop3A_111 = arith.constant 3 : i32
        %parallel_loop3A_112 = arith.index_cast %parallel_loop3A_111 : i32 to index
        %parallel_loop3A_113 = arith.index_cast %parallel_loop3A_110 : i32 to index
        %parallel_loop3A_114 = tpu.vector_load %arg7[%parallel_loop3A_112, %parallel_loop3A_113] {strides = array<i32>} : memref<10x1024xi32, #tpu.memory_space<vmem>>, vector<16xi32>,
        %parallel_loop3A_115 = tpu.vector_load_idx %arg5[%parallel_loop3A_114] : memref<100096xi32, #tpu.memory_space<vmem>>[vector<16xi32>], vector<16xi32>,
        %parallel_loop3A_116 = arith.constant 16 : i32
        %parallel_loop3A_117 = vector.broadcast %parallel_loop3A_116 : i32 to vector<16xi32>
        %parallel_loop3A_118 = arith.shli %parallel_loop3A_115, %parallel_loop3A_117 : vector<16xi32>
        %parallel_loop3A_119 = arith.constant 16 : i32
        %parallel_loop3A_120 = vector.broadcast %parallel_loop3A_119 : i32 to vector<16xi32>
        %parallel_loop3A_121 = arith.shrsi %parallel_loop3A_118, %parallel_loop3A_120 : vector<16xi32>
        %parallel_loop3A_122 = arith.addi %parallel_loop3A_104, %parallel_loop3A_121 : vector<16xi32>
        %parallel_loop3A_123 = arith.constant 16 : i32
        %parallel_loop3A_124 = vector.broadcast %parallel_loop3A_123 : i32 to vector<16xi32>
        %parallel_loop3A_125 = arith.shrsi %parallel_loop3A_115, %parallel_loop3A_124 : vector<16xi32>
        %parallel_loop3A_126 = arith.addi %parallel_loop3A_108, %parallel_loop3A_125 : vector<16xi32>
        %parallel_loop3A_127 = arith.constant 16 : i32
        %parallel_loop3A_128 = arith.muli %parallel_loop3A_54, %parallel_loop3A_127 : i32
        %parallel_loop3A_129 = arith.constant 4 : i32
        %parallel_loop3A_130 = arith.index_cast %parallel_loop3A_129 : i32 to index
        %parallel_loop3A_131 = arith.index_cast %parallel_loop3A_128 : i32 to index
        %parallel_loop3A_132 = tpu.vector_load %arg7[%parallel_loop3A_130, %parallel_loop3A_131] {strides = array<i32>} : memref<10x1024xi32, #tpu.memory_space<vmem>>, vector<16xi32>,
        %parallel_loop3A_133 = tpu.vector_load_idx %arg5[%parallel_loop3A_132] : memref<100096xi32, #tpu.memory_space<vmem>>[vector<16xi32>], vector<16xi32>,
        %parallel_loop3A_134 = arith.constant 16 : i32
        %parallel_loop3A_135 = vector.broadcast %parallel_loop3A_134 : i32 to vector<16xi32>
        %parallel_loop3A_136 = arith.shli %parallel_loop3A_133, %parallel_loop3A_135 : vector<16xi32>
        %parallel_loop3A_137 = arith.constant 16 : i32
        %parallel_loop3A_138 = vector.broadcast %parallel_loop3A_137 : i32 to vector<16xi32>
        %parallel_loop3A_139 = arith.shrsi %parallel_loop3A_136, %parallel_loop3A_138 : vector<16xi32>
        %parallel_loop3A_140 = arith.addi %parallel_loop3A_122, %parallel_loop3A_139 : vector<16xi32>
        %parallel_loop3A_141 = arith.constant 16 : i32
        %parallel_loop3A_142 = vector.broadcast %parallel_loop3A_141 : i32 to vector<16xi32>
        %parallel_loop3A_143 = arith.shrsi %parallel_loop3A_133, %parallel_loop3A_142 : vector<16xi32>
        %parallel_loop3A_144 = arith.addi %parallel_loop3A_126, %parallel_loop3A_143 : vector<16xi32>
        %parallel_loop3A_145 = arith.constant 16 : i32
        %parallel_loop3A_146 = arith.muli %parallel_loop3A_54, %parallel_loop3A_145 : i32
        %parallel_loop3A_147 = arith.constant 5 : i32
        %parallel_loop3A_148 = arith.index_cast %parallel_loop3A_147 : i32 to index
        %parallel_loop3A_149 = arith.index_cast %parallel_loop3A_146 : i32 to index
        %parallel_loop3A_150 = tpu.vector_load %arg7[%parallel_loop3A_148, %parallel_loop3A_149] {strides = array<i32>} : memref<10x1024xi32, #tpu.memory_space<vmem>>, vector<16xi32>,
        %parallel_loop3A_151 = tpu.vector_load_idx %arg5[%parallel_loop3A_150] : memref<100096xi32, #tpu.memory_space<vmem>>[vector<16xi32>], vector<16xi32>,
        %parallel_loop3A_152 = arith.constant 16 : i32
        %parallel_loop3A_153 = vector.broadcast %parallel_loop3A_152 : i32 to vector<16xi32>
        %parallel_loop3A_154 = arith.shli %parallel_loop3A_151, %parallel_loop3A_153 : vector<16xi32>
        %parallel_loop3A_155 = arith.constant 16 : i32
        %parallel_loop3A_156 = vector.broadcast %parallel_loop3A_155 : i32 to vector<16xi32>
        %parallel_loop3A_157 = arith.shrsi %parallel_loop3A_154, %parallel_loop3A_156 : vector<16xi32>
        %parallel_loop3A_158 = arith.addi %parallel_loop3A_140, %parallel_loop3A_157 : vector<16xi32>
        %parallel_loop3A_159 = arith.constant 16 : i32
        %parallel_loop3A_160 = vector.broadcast %parallel_loop3A_159 : i32 to vector<16xi32>
        %parallel_loop3A_161 = arith.shrsi %parallel_loop3A_151, %parallel_loop3A_160 : vector<16xi32>
        %parallel_loop3A_162 = arith.addi %parallel_loop3A_144, %parallel_loop3A_161 : vector<16xi32>
        %parallel_loop3A_163 = arith.constant 16 : i32
        %parallel_loop3A_164 = arith.muli %parallel_loop3A_54, %parallel_loop3A_163 : i32
        %parallel_loop3A_165 = arith.constant 6 : i32
        %parallel_loop3A_166 = arith.index_cast %parallel_loop3A_165 : i32 to index
        %parallel_loop3A_167 = arith.index_cast %parallel_loop3A_164 : i32 to index
        %parallel_loop3A_168 = tpu.vector_load %arg7[%parallel_loop3A_166, %parallel_loop3A_167] {strides = array<i32>} : memref<10x1024xi32, #tpu.memory_space<vmem>>, vector<16xi32>,
        %parallel_loop3A_169 = tpu.vector_load_idx %arg5[%parallel_loop3A_168] : memref<100096xi32, #tpu.memory_space<vmem>>[vector<16xi32>], vector<16xi32>,
        %parallel_loop3A_170 = arith.constant 16 : i32
        %parallel_loop3A_171 = vector.broadcast %parallel_loop3A_170 : i32 to vector<16xi32>
        %parallel_loop3A_172 = arith.shli %parallel_loop3A_169, %parallel_loop3A_171 : vector<16xi32>
        %parallel_loop3A_173 = arith.constant 16 : i32
        %parallel_loop3A_174 = vector.broadcast %parallel_loop3A_173 : i32 to vector<16xi32>
        %parallel_loop3A_175 = arith.shrsi %parallel_loop3A_172, %parallel_loop3A_174 : vector<16xi32>
        %parallel_loop3A_176 = arith.addi %parallel_loop3A_158, %parallel_loop3A_175 : vector<16xi32>
        %parallel_loop3A_177 = arith.constant 16 : i32
        %parallel_loop3A_178 = vector.broadcast %parallel_loop3A_177 : i32 to vector<16xi32>
        %parallel_loop3A_179 = arith.shrsi %parallel_loop3A_169, %parallel_loop3A_178 : vector<16xi32>
        %parallel_loop3A_180 = arith.addi %parallel_loop3A_162, %parallel_loop3A_179 : vector<16xi32>
        %parallel_loop3A_181 = arith.constant 16 : i32
        %parallel_loop3A_182 = arith.muli %parallel_loop3A_54, %parallel_loop3A_181 : i32
        %parallel_loop3A_183 = arith.constant 7 : i32
        %parallel_loop3A_184 = arith.index_cast %parallel_loop3A_183 : i32 to index
        %parallel_loop3A_185 = arith.index_cast %parallel_loop3A_182 : i32 to index
        %parallel_loop3A_186 = tpu.vector_load %arg7[%parallel_loop3A_184, %parallel_loop3A_185] {strides = array<i32>} : memref<10x1024xi32, #tpu.memory_space<vmem>>, vector<16xi32>,
        %parallel_loop3A_187 = tpu.vector_load_idx %arg5[%parallel_loop3A_186] : memref<100096xi32, #tpu.memory_space<vmem>>[vector<16xi32>], vector<16xi32>,
        %parallel_loop3A_188 = arith.constant 16 : i32
        %parallel_loop3A_189 = vector.broadcast %parallel_loop3A_188 : i32 to vector<16xi32>
        %parallel_loop3A_190 = arith.shli %parallel_loop3A_187, %parallel_loop3A_189 : vector<16xi32>
        %parallel_loop3A_191 = arith.constant 16 : i32
        %parallel_loop3A_192 = vector.broadcast %parallel_loop3A_191 : i32 to vector<16xi32>
        %parallel_loop3A_193 = arith.shrsi %parallel_loop3A_190, %parallel_loop3A_192 : vector<16xi32>
        %parallel_loop3A_194 = arith.addi %parallel_loop3A_176, %parallel_loop3A_193 : vector<16xi32>
        %parallel_loop3A_195 = arith.constant 16 : i32
        %parallel_loop3A_196 = vector.broadcast %parallel_loop3A_195 : i32 to vector<16xi32>
        %parallel_loop3A_197 = arith.shrsi %parallel_loop3A_187, %parallel_loop3A_196 : vector<16xi32>
        %parallel_loop3A_198 = arith.addi %parallel_loop3A_180, %parallel_loop3A_197 : vector<16xi32>
        %parallel_loop3A_199 = arith.constant 16 : i32
        %parallel_loop3A_200 = arith.muli %parallel_loop3A_54, %parallel_loop3A_199 : i32
        %parallel_loop3A_201 = arith.constant 8 : i32
        %parallel_loop3A_202 = arith.index_cast %parallel_loop3A_201 : i32 to index
        %parallel_loop3A_203 = arith.index_cast %parallel_loop3A_200 : i32 to index
        %parallel_loop3A_204 = tpu.vector_load %arg7[%parallel_loop3A_202, %parallel_loop3A_203] {strides = array<i32>} : memref<10x1024xi32, #tpu.memory_space<vmem>>, vector<16xi32>,
        %parallel_loop3A_205 = tpu.vector_load_idx %arg5[%parallel_loop3A_204] : memref<100096xi32, #tpu.memory_space<vmem>>[vector<16xi32>], vector<16xi32>,
        %parallel_loop3A_206 = arith.constant 16 : i32
        %parallel_loop3A_207 = vector.broadcast %parallel_loop3A_206 : i32 to vector<16xi32>
        %parallel_loop3A_208 = arith.shli %parallel_loop3A_205, %parallel_loop3A_207 : vector<16xi32>
        %parallel_loop3A_209 = arith.constant 16 : i32
        %parallel_loop3A_210 = vector.broadcast %parallel_loop3A_209 : i32 to vector<16xi32>
        %parallel_loop3A_211 = arith.shrsi %parallel_loop3A_208, %parallel_loop3A_210 : vector<16xi32>
        %parallel_loop3A_212 = arith.addi %parallel_loop3A_194, %parallel_loop3A_211 : vector<16xi32>
        %parallel_loop3A_213 = arith.constant 16 : i32
        %parallel_loop3A_214 = vector.broadcast %parallel_loop3A_213 : i32 to vector<16xi32>
        %parallel_loop3A_215 = arith.shrsi %parallel_loop3A_205, %parallel_loop3A_214 : vector<16xi32>
        %parallel_loop3A_216 = arith.addi %parallel_loop3A_198, %parallel_loop3A_215 : vector<16xi32>
        %parallel_loop3A_217 = arith.constant 16 : i32
        %parallel_loop3A_218 = arith.muli %parallel_loop3A_54, %parallel_loop3A_217 : i32
        %parallel_loop3A_219 = arith.constant 9 : i32
        %parallel_loop3A_220 = arith.index_cast %parallel_loop3A_219 : i32 to index
        %parallel_loop3A_221 = arith.index_cast %parallel_loop3A_218 : i32 to index
        %parallel_loop3A_222 = tpu.vector_load %arg7[%parallel_loop3A_220, %parallel_loop3A_221] {strides = array<i32>} : memref<10x1024xi32, #tpu.memory_space<vmem>>, vector<16xi32>,
        %parallel_loop3A_223 = tpu.vector_load_idx %arg5[%parallel_loop3A_222] : memref<100096xi32, #tpu.memory_space<vmem>>[vector<16xi32>], vector<16xi32>,
        %parallel_loop3A_224 = arith.constant 16 : i32
        %parallel_loop3A_225 = vector.broadcast %parallel_loop3A_224 : i32 to vector<16xi32>
        %parallel_loop3A_226 = arith.shli %parallel_loop3A_223, %parallel_loop3A_225 : vector<16xi32>
        %parallel_loop3A_227 = arith.constant 16 : i32
        %parallel_loop3A_228 = vector.broadcast %parallel_loop3A_227 : i32 to vector<16xi32>
        %parallel_loop3A_229 = arith.shrsi %parallel_loop3A_226, %parallel_loop3A_228 : vector<16xi32>
        %parallel_loop3A_230 = arith.addi %parallel_loop3A_212, %parallel_loop3A_229 : vector<16xi32>
        %parallel_loop3A_231 = arith.constant 16 : i32
        %parallel_loop3A_232 = vector.broadcast %parallel_loop3A_231 : i32 to vector<16xi32>
        %parallel_loop3A_233 = arith.shrsi %parallel_loop3A_223, %parallel_loop3A_232 : vector<16xi32>
        %parallel_loop3A_234 = arith.addi %parallel_loop3A_216, %parallel_loop3A_233 : vector<16xi32>
        %parallel_loop3A_235 = arith.constant 16 : i32
        %parallel_loop3A_236 = arith.muli %parallel_loop3A_54, %parallel_loop3A_235 : i32
        %parallel_loop3A_237 = arith.constant 0 : i32
        %parallel_loop3A_238 = arith.index_cast %parallel_loop3A_237 : i32 to index
        %parallel_loop3A_239 = arith.index_cast %parallel_loop3A_236 : i32 to index
        %parallel_loop3A_240 = tpu.vector_load %arg8[%parallel_loop3A_238, %parallel_loop3A_239] {strides = array<i32>} : memref<2x1024xi32, #tpu.memory_space<vmem>>, vector<16xi32>,
        tpu.vector_store %arg8[%parallel_loop3A_238, %parallel_loop3A_239], %parallel_loop3A_230 {add = true, strides = array<i32>} : memref<2x1024xi32, #tpu.memory_space<vmem>>, vector<16xi32>,
        %parallel_loop3A_241 = arith.constant 16 : i32
        %parallel_loop3A_242 = arith.muli %parallel_loop3A_54, %parallel_loop3A_241 : i32
        %parallel_loop3A_243 = arith.constant 1 : i32
        %parallel_loop3A_244 = arith.index_cast %parallel_loop3A_243 : i32 to index
        %parallel_loop3A_245 = arith.index_cast %parallel_loop3A_242 : i32 to index
        %parallel_loop3A_246 = tpu.vector_load %arg8[%parallel_loop3A_244, %parallel_loop3A_245] {strides = array<i32>} : memref<2x1024xi32, #tpu.memory_space<vmem>>, vector<16xi32>,
        tpu.vector_store %arg8[%parallel_loop3A_244, %parallel_loop3A_245], %parallel_loop3A_234 {add = true, strides = array<i32>} : memref<2x1024xi32, #tpu.memory_space<vmem>>, vector<16xi32>,
      } {sc.loop_unroll_factor = 16 : i64, sc.parallel_access}
    }
    %scan3A_15 = arith.constant 10 : i32
    %run_scoped3A = arith.constant 0 : i32
    "tpu.region"() ({
      %run_scoped3A_19 = tpu.sem_alloc : memref<!tpu.dma_semaphore, #tpu.memory_space<semaphore_mem>>
      %dma_start3A_20 = arith.constant 0 : i32
      %dma_start3A_21 = tpu.memref_slice %arg8[%run_scoped3A, %dma_start3A_20] : memref<2x1024xi32, #tpu.memory_space<vmem>> -> memref<1x1024xi32, #tpu.memory_space<vmem>>
      %dma_start3A_22 = tpu.memref_squeeze %dma_start3A_21 : memref<1x1024xi32, #tpu.memory_space<vmem>> -> memref<1024xi32, #tpu.memory_space<vmem>>
      %dma_start3A_23 = arith.constant 0 : i32
      %dma_start3A_24 = tpu.memref_slice %arg4[%add3A, %dma_start3A_23] : memref<64x1024xi32, #tpu.memory_space<hbm>> -> memref<1x1024xi32, #tpu.memory_space<hbm>>
      %dma_start3A_25 = tpu.memref_squeeze %dma_start3A_24 : memref<1x1024xi32, #tpu.memory_space<hbm>> -> memref<1024xi32, #tpu.memory_space<hbm>>
      %dma_start3A_26 = arith.constant 0 : i32
      %dma_start3A_27 = tpu.memref_slice %arg4[%add3A, %dma_start3A_26] : memref<64x1024xi32, #tpu.memory_space<hbm>> -> memref<1x1024xi32, #tpu.memory_space<hbm>>
      %dma_start3A_28 = tpu.memref_squeeze %dma_start3A_27 : memref<1x1024xi32, #tpu.memory_space<hbm>> -> memref<1024xi32, #tpu.memory_space<hbm>>
      %dma_start3A_29 = arith.constant 0 : i32
      %dma_start3A_30 = tpu.memref_slice %arg8[%run_scoped3A, %dma_start3A_29] : memref<2x1024xi32, #tpu.memory_space<vmem>> -> memref<1x1024xi32, #tpu.memory_space<vmem>>
      %dma_start3A_31 = tpu.memref_squeeze %dma_start3A_30 : memref<1x1024xi32, #tpu.memory_space<vmem>> -> memref<1024xi32, #tpu.memory_space<vmem>>
      tpu.enqueue_dma source(%dma_start3A_31 : memref<1024xi32, #tpu.memory_space<vmem>>) target(%dma_start3A_28 : memref<1024xi32, #tpu.memory_space<hbm>>) target_semaphore(%run_scoped3A_19 : memref<!tpu.dma_semaphore, #tpu.memory_space<semaphore_mem>>)
      %dma_wait3A = arith.constant 0 : i32
      %dma_wait3A_32 = tpu.memref_slice %arg8[%run_scoped3A, %dma_wait3A] : memref<2x1024xi32, #tpu.memory_space<vmem>> -> memref<1x1024xi32, #tpu.memory_space<vmem>>
      %dma_wait3A_33 = tpu.memref_squeeze %dma_wait3A_32 : memref<1x1024xi32, #tpu.memory_space<vmem>> -> memref<1024xi32, #tpu.memory_space<vmem>>
      %dma_wait3A_34 = arith.constant 0 : i32
      %dma_wait3A_35 = tpu.memref_slice %arg4[%add3A, %dma_wait3A_34] : memref<64x1024xi32, #tpu.memory_space<hbm>> -> memref<1x1024xi32, #tpu.memory_space<hbm>>
      %dma_wait3A_36 = tpu.memref_squeeze %dma_wait3A_35 : memref<1x1024xi32, #tpu.memory_space<hbm>> -> memref<1024xi32, #tpu.memory_space<hbm>>
      %dma_wait3A_37 = arith.constant 0 : i32
      %dma_wait3A_38 = tpu.memref_slice %arg4[%add3A, %dma_wait3A_37] : memref<64x1024xi32, #tpu.memory_space<hbm>> -> memref<1x1024xi32, #tpu.memory_space<hbm>>
      %dma_wait3A_39 = tpu.memref_squeeze %dma_wait3A_38 : memref<1x1024xi32, #tpu.memory_space<hbm>> -> memref<1024xi32, #tpu.memory_space<hbm>>
      %dma_wait3A_40 = arith.constant 0 : i32
      %dma_wait3A_41 = tpu.memref_slice %arg8[%run_scoped3A, %dma_wait3A_40] : memref<2x1024xi32, #tpu.memory_space<vmem>> -> memref<1x1024xi32, #tpu.memory_space<vmem>>
      %dma_wait3A_42 = tpu.memref_squeeze %dma_wait3A_41 : memref<1x1024xi32, #tpu.memory_space<vmem>> -> memref<1024xi32, #tpu.memory_space<vmem>>
      tpu.wait_dma2 semaphore(%run_scoped3A_19 : memref<!tpu.dma_semaphore, #tpu.memory_space<semaphore_mem>>) src(%dma_wait3A_42 : memref<1024xi32, #tpu.memory_space<vmem>>) dst(%dma_wait3A_39 : memref<1024xi32, #tpu.memory_space<hbm>>)
      tpu.yield
    }) : () -> ()
    %add3A_16 = arith.constant 32 : i32
    %add3A_17 = arith.addi %add3A, %add3A_16 : i32
    %run_scoped3A_18 = arith.constant 1 : i32
    "tpu.region"() ({
      %run_scoped3A_19 = tpu.sem_alloc : memref<!tpu.dma_semaphore, #tpu.memory_space<semaphore_mem>>
      %dma_start3A_20 = arith.constant 0 : i32
      %dma_start3A_21 = tpu.memref_slice %arg8[%run_scoped3A_18, %dma_start3A_20] : memref<2x1024xi32, #tpu.memory_space<vmem>> -> memref<1x1024xi32, #tpu.memory_space<vmem>>
      %dma_start3A_22 = tpu.memref_squeeze %dma_start3A_21 : memref<1x1024xi32, #tpu.memory_space<vmem>> -> memref<1024xi32, #tpu.memory_space<vmem>>
      %dma_start3A_23 = arith.constant 0 : i32
      %dma_start3A_24 = tpu.memref_slice %arg4[%add3A_17, %dma_start3A_23] : memref<64x1024xi32, #tpu.memory_space<hbm>> -> memref<1x1024xi32, #tpu.memory_space<hbm>>
      %dma_start3A_25 = tpu.memref_squeeze %dma_start3A_24 : memref<1x1024xi32, #tpu.memory_space<hbm>> -> memref<1024xi32, #tpu.memory_space<hbm>>
      %dma_start3A_26 = arith.constant 0 : i32
      %dma_start3A_27 = tpu.memref_slice %arg4[%add3A_17, %dma_start3A_26] : memref<64x1024xi32, #tpu.memory_space<hbm>> -> memref<1x1024xi32, #tpu.memory_space<hbm>>
      %dma_start3A_28 = tpu.memref_squeeze %dma_start3A_27 : memref<1x1024xi32, #tpu.memory_space<hbm>> -> memref<1024xi32, #tpu.memory_space<hbm>>
      %dma_start3A_29 = arith.constant 0 : i32
      %dma_start3A_30 = tpu.memref_slice %arg8[%run_scoped3A_18, %dma_start3A_29] : memref<2x1024xi32, #tpu.memory_space<vmem>> -> memref<1x1024xi32, #tpu.memory_space<vmem>>
      %dma_start3A_31 = tpu.memref_squeeze %dma_start3A_30 : memref<1x1024xi32, #tpu.memory_space<vmem>> -> memref<1024xi32, #tpu.memory_space<vmem>>
      tpu.enqueue_dma source(%dma_start3A_31 : memref<1024xi32, #tpu.memory_space<vmem>>) target(%dma_start3A_28 : memref<1024xi32, #tpu.memory_space<hbm>>) target_semaphore(%run_scoped3A_19 : memref<!tpu.dma_semaphore, #tpu.memory_space<semaphore_mem>>)
      %dma_wait3A = arith.constant 0 : i32
      %dma_wait3A_32 = tpu.memref_slice %arg8[%run_scoped3A_18, %dma_wait3A] : memref<2x1024xi32, #tpu.memory_space<vmem>> -> memref<1x1024xi32, #tpu.memory_space<vmem>>
      %dma_wait3A_33 = tpu.memref_squeeze %dma_wait3A_32 : memref<1x1024xi32, #tpu.memory_space<vmem>> -> memref<1024xi32, #tpu.memory_space<vmem>>
      %dma_wait3A_34 = arith.constant 0 : i32
      %dma_wait3A_35 = tpu.memref_slice %arg4[%add3A_17, %dma_wait3A_34] : memref<64x1024xi32, #tpu.memory_space<hbm>> -> memref<1x1024xi32, #tpu.memory_space<hbm>>
      %dma_wait3A_36 = tpu.memref_squeeze %dma_wait3A_35 : memref<1x1024xi32, #tpu.memory_space<hbm>> -> memref<1024xi32, #tpu.memory_space<hbm>>
      %dma_wait3A_37 = arith.constant 0 : i32
      %dma_wait3A_38 = tpu.memref_slice %arg4[%add3A_17, %dma_wait3A_37] : memref<64x1024xi32, #tpu.memory_space<hbm>> -> memref<1x1024xi32, #tpu.memory_space<hbm>>
      %dma_wait3A_39 = tpu.memref_squeeze %dma_wait3A_38 : memref<1x1024xi32, #tpu.memory_space<hbm>> -> memref<1024xi32, #tpu.memory_space<hbm>>
      %dma_wait3A_40 = arith.constant 0 : i32
      %dma_wait3A_41 = tpu.memref_slice %arg8[%run_scoped3A_18, %dma_wait3A_40] : memref<2x1024xi32, #tpu.memory_space<vmem>> -> memref<1x1024xi32, #tpu.memory_space<vmem>>
      %dma_wait3A_42 = tpu.memref_squeeze %dma_wait3A_41 : memref<1x1024xi32, #tpu.memory_space<vmem>> -> memref<1024xi32, #tpu.memory_space<vmem>>
      tpu.wait_dma2 semaphore(%run_scoped3A_19 : memref<!tpu.dma_semaphore, #tpu.memory_space<semaphore_mem>>) src(%dma_wait3A_42 : memref<1024xi32, #tpu.memory_space<vmem>>) dst(%dma_wait3A_39 : memref<1024xi32, #tpu.memory_space<hbm>>)
      tpu.yield
    }) : () -> ()
    return
  }
}

module attributes {stable_mosaic.version = 14 : i64} {
  func.func @_tab_body(%arg0: i32, %arg1: memref<8x100096xf32, #tpu.memory_space<vmem>>, %arg2: memref<8x100096xf32, #tpu.memory_space<vmem>>, %arg3: memref<64x1xf32, #tpu.memory_space<vmem>>, %arg4: memref<200x1024xi32, #tpu.memory_space<vmem>>, %arg5: memref<1x1024xi32, #tpu.memory_space<vmem>>, %arg6: memref<8x100096xi32, #tpu.memory_space<vmem>>, %arg7: memref<200x1024xi32, #tpu.memory_space<vmem>>) attributes {dimension_semantics = [#tpu.dimension_semantics<arbitrary>], iteration_bounds = array<i64: 4>, scalar_prefetch = 0 : i64, scratch_operands = 0 : i64, tpu.core_type = #tpu.core_type<tc>, window_params = [{transform_indices = @transform_0, window_bounds = array<i64: 8, 100096>}, {transform_indices = @transform_1, window_bounds = array<i64: 8, 100096>}, {pipeline_mode = #tpu.pipeline_mode<synchronous>, transform_indices = @transform_2, window_bounds = array<i64: 64, 1>}, {pipeline_mode = #tpu.pipeline_mode<synchronous>, transform_indices = @transform_3, window_bounds = array<i64: 200, 1024>}, {pipeline_mode = #tpu.pipeline_mode<synchronous>, transform_indices = @transform_4, window_bounds = array<i64: 1, 1024>}, {transform_indices = @transform_5, window_bounds = array<i64: 8, 100096>}, {pipeline_mode = #tpu.pipeline_mode<synchronous>, transform_indices = @transform_6, window_bounds = array<i64: 200, 1024>}]} {
    %iota3A = tpu.iota {dimensions = array<i32: 1>} : vector<8x100096xi32>
    %lt3A = arith.constant 100000 : i32
    %lt3A_0 = vector.broadcast %lt3A : i32 to vector<8x100096xi32>
    %lt3A_1 = arith.cmpi slt, %iota3A, %lt3A_0 : vector<8x100096xi32>
    %mul3A = arith.constant 8 : i32
    %mul3A_2 = arith.muli %arg0, %mul3A : i32
    %add3A = arith.constant 0 : i32
    %add3A_3 = arith.addi %mul3A_2, %add3A : i32
    %get3A = arith.index_cast %add3A_3 : i32 to index
    %get3A_4 = arith.constant 0 : index
    %get3A_5 = vector.load %arg3[%get3A, %get3A_4] : memref<64x1xf32, #tpu.memory_space<vmem>>, vector<8x1xf32>
    %get3A_6 = vector.shape_cast %get3A_5 : vector<8x1xf32> to vector<8xf32>
    %add3A_7 = arith.constant 1.000000e+03 : f32
    %add3A_8 = vector.broadcast %add3A_7 : f32 to vector<8xf32>
    %add3A_9 = arith.addf %get3A_6, %add3A_8 : vector<8xf32>
    %log3A = math.log %add3A_9 : vector<8xf32>
    %get3A_10 = arith.constant 0 : index
    %get3A_11 = arith.constant 0 : index
    %get3A_12 = vector.load %arg1[%get3A_10, %get3A_11] : memref<8x100096xf32, #tpu.memory_space<vmem>>, vector<8x100096xf32>
    %broadcast_in_dim3A = vector.shape_cast %get3A_6 : vector<8xf32> to vector<8x1xf32>
    %mul3A_13 = vector.broadcast %broadcast_in_dim3A : vector<8x1xf32> to vector<8x100096xf32>
    %mul3A_14 = arith.mulf %get3A_12, %mul3A_13 : vector<8x100096xf32>
    %eq3A = arith.constant 0.000000e+00 : f32
    %eq3A_15 = vector.broadcast %eq3A : f32 to vector<8x100096xf32>
    %eq3A_16 = arith.cmpf oeq, %mul3A_14, %eq3A_15 : vector<8x100096xf32>
    %jit3A = arith.constant 0.00999999977 : f32
    %broadcast_in_dim3A_17 = vector.broadcast %jit3A : f32 to vector<8x100096xf32>
    %select_n3A = arith.select %eq3A_16, %broadcast_in_dim3A_17, %mul3A_14 : vector<8x100096xi1>, vector<8x100096xf32>
    %log3A_18 = math.log %select_n3A : vector<8x100096xf32>
    %broadcast_in_dim3A_19 = vector.shape_cast %log3A : vector<8xf32> to vector<8x1xf32>
    %sub3A = vector.broadcast %broadcast_in_dim3A_19 : vector<8x1xf32> to vector<8x100096xf32>
    %sub3A_20 = arith.subf %log3A_18, %sub3A : vector<8x100096xf32>
    %mul3A_21 = arith.constant 1.024000e+03 : f32
    %mul3A_22 = vector.broadcast %mul3A_21 : f32 to vector<8x100096xf32>
    %mul3A_23 = arith.mulf %sub3A_20, %mul3A_22 : vector<8x100096xf32>
    %add3A_24 = arith.constant 5.000000e-01 : f32
    %add3A_25 = vector.broadcast %add3A_24 : f32 to vector<8x100096xf32>
    %add3A_26 = arith.addf %mul3A_23, %add3A_25 : vector<8x100096xf32>
    %floor3A = math.floor %add3A_26 : vector<8x100096xf32>
    %convert_element_type3A = arith.fptosi %floor3A : vector<8x100096xf32> to vector<8x100096xi32>
    %jit3A_27 = arith.constant -32768 : i32
    %jit3A_28 = arith.constant 32767 : i32
    %max3A = vector.broadcast %jit3A_27 : i32 to vector<8x100096xi32>
    %max3A_29 = arith.maxsi %max3A, %convert_element_type3A : vector<8x100096xi32>
    %min3A = vector.broadcast %jit3A_28 : i32 to vector<8x100096xi32>
    %min3A_30 = arith.minsi %min3A, %max3A_29 : vector<8x100096xi32>
    %jit3A_31 = arith.constant 0 : i32
    %broadcast_in_dim3A_32 = vector.broadcast %jit3A_31 : i32 to vector<8x100096xi32>
    %select_n3A_33 = arith.select %lt3A_1, %min3A_30, %broadcast_in_dim3A_32 : vector<8x100096xi1>, vector<8x100096xi32>
    %mul3A_34 = arith.constant 8 : i32
    %mul3A_35 = arith.muli %arg0, %mul3A_34 : i32
    %add3A_36 = arith.constant 32 : i32
    %add3A_37 = arith.addi %mul3A_35, %add3A_36 : i32
    %get3A_38 = arith.index_cast %add3A_37 : i32 to index
    %get3A_39 = arith.constant 0 : index
    %get3A_40 = vector.load %arg3[%get3A_38, %get3A_39] : memref<64x1xf32, #tpu.memory_space<vmem>>, vector<8x1xf32>
    %get3A_41 = vector.shape_cast %get3A_40 : vector<8x1xf32> to vector<8xf32>
    %add3A_42 = arith.constant 1.000000e+03 : f32
    %add3A_43 = vector.broadcast %add3A_42 : f32 to vector<8xf32>
    %add3A_44 = arith.addf %get3A_41, %add3A_43 : vector<8xf32>
    %log3A_45 = math.log %add3A_44 : vector<8xf32>
    %get3A_46 = arith.constant 0 : index
    %get3A_47 = arith.constant 0 : index
    %get3A_48 = vector.load %arg2[%get3A_46, %get3A_47] : memref<8x100096xf32, #tpu.memory_space<vmem>>, vector<8x100096xf32>
    %broadcast_in_dim3A_49 = vector.shape_cast %get3A_41 : vector<8xf32> to vector<8x1xf32>
    %mul3A_50 = vector.broadcast %broadcast_in_dim3A_49 : vector<8x1xf32> to vector<8x100096xf32>
    %mul3A_51 = arith.mulf %get3A_48, %mul3A_50 : vector<8x100096xf32>
    %eq3A_52 = arith.constant 0.000000e+00 : f32
    %eq3A_53 = vector.broadcast %eq3A_52 : f32 to vector<8x100096xf32>
    %eq3A_54 = arith.cmpf oeq, %mul3A_51, %eq3A_53 : vector<8x100096xf32>
    %jit3A_55 = arith.constant 0.00999999977 : f32
    %broadcast_in_dim3A_56 = vector.broadcast %jit3A_55 : f32 to vector<8x100096xf32>
    %select_n3A_57 = arith.select %eq3A_54, %broadcast_in_dim3A_56, %mul3A_51 : vector<8x100096xi1>, vector<8x100096xf32>
    %log3A_58 = math.log %select_n3A_57 : vector<8x100096xf32>
    %broadcast_in_dim3A_59 = vector.shape_cast %log3A_45 : vector<8xf32> to vector<8x1xf32>
    %sub3A_60 = vector.broadcast %broadcast_in_dim3A_59 : vector<8x1xf32> to vector<8x100096xf32>
    %sub3A_61 = arith.subf %log3A_58, %sub3A_60 : vector<8x100096xf32>
    %mul3A_62 = arith.constant 1.024000e+03 : f32
    %mul3A_63 = vector.broadcast %mul3A_62 : f32 to vector<8x100096xf32>
    %mul3A_64 = arith.mulf %sub3A_61, %mul3A_63 : vector<8x100096xf32>
    %add3A_65 = arith.constant 5.000000e-01 : f32
    %add3A_66 = vector.broadcast %add3A_65 : f32 to vector<8x100096xf32>
    %add3A_67 = arith.addf %mul3A_64, %add3A_66 : vector<8x100096xf32>
    %floor3A_68 = math.floor %add3A_67 : vector<8x100096xf32>
    %convert_element_type3A_69 = arith.fptosi %floor3A_68 : vector<8x100096xf32> to vector<8x100096xi32>
    %jit3A_70 = arith.constant -32768 : i32
    %jit3A_71 = arith.constant 32767 : i32
    %max3A_72 = vector.broadcast %jit3A_70 : i32 to vector<8x100096xi32>
    %max3A_73 = arith.maxsi %max3A_72, %convert_element_type3A_69 : vector<8x100096xi32>
    %min3A_74 = vector.broadcast %jit3A_71 : i32 to vector<8x100096xi32>
    %min3A_75 = arith.minsi %min3A_74, %max3A_73 : vector<8x100096xi32>
    %jit3A_76 = arith.constant 0 : i32
    %broadcast_in_dim3A_77 = vector.broadcast %jit3A_76 : i32 to vector<8x100096xi32>
    %select_n3A_78 = arith.select %lt3A_1, %min3A_75, %broadcast_in_dim3A_77 : vector<8x100096xi1>, vector<8x100096xi32>
    %and3A = arith.constant 65535 : i32
    %and3A_79 = vector.broadcast %and3A : i32 to vector<8x100096xi32>
    %and3A_80 = arith.andi %select_n3A_33, %and3A_79 : vector<8x100096xi32>
    %shift_left3A = arith.constant 16 : i32
    %shift_left3A_81 = vector.broadcast %shift_left3A : i32 to vector<8x100096xi32>
    %shift_left3A_82 = arith.shli %select_n3A_78, %shift_left3A_81 : vector<8x100096xi32>
    %or3A = arith.ori %and3A_80, %shift_left3A_82 : vector<8x100096xi32>
    %swap3A = arith.constant 0 : index
    %swap3A_83 = arith.constant 0 : index
    %swap3A_84 = vector.load %arg6[%swap3A, %swap3A_83] : memref<8x100096xi32, #tpu.memory_space<vmem>>, vector<8x100096xi32>
    tpu.vector_store %arg6[%swap3A, %swap3A_83], %or3A {strides = array<i32>} : memref<8x100096xi32, #tpu.memory_space<vmem>>, vector<8x100096xi32>,
    %eq3A_85 = arith.constant 0 : i32
    %eq3A_86 = arith.cmpi eq, %arg0, %eq3A_85 : i32
    %convert_element_type3A_87 = arith.extui %eq3A_86 : i1 to i32
    %cond3A = arith.constant 0 : i32
    %cond3A_88 = arith.cmpi ne, %convert_element_type3A_87, %cond3A : i32
    scf.if %cond3A_88 {
      %iota3A_89 = tpu.iota {dimensions = array<i32: 0>} : vector<200x1024xi32>
      %get3A_90 = arith.constant 0 : index
      %get3A_91 = arith.constant 0 : index
      %get3A_92 = vector.load %arg5[%get3A_90, %get3A_91] : memref<1x1024xi32, #tpu.memory_space<vmem>>, vector<1x1024xi32>
      %get3A_93 = vector.shape_cast %get3A_92 : vector<1x1024xi32> to vector<1024xi32>
      %broadcast_in_dim3A_94 = vector.shape_cast %get3A_93 : vector<1024xi32> to vector<1x1024xi32>
      %lt3A_95 = vector.broadcast %broadcast_in_dim3A_94 : vector<1x1024xi32> to vector<200x1024xi32>
      %lt3A_96 = arith.cmpi slt, %iota3A_89, %lt3A_95 : vector<200x1024xi32>
      %get3A_97 = arith.constant 0 : index
      %get3A_98 = arith.constant 0 : index
      %get3A_99 = vector.load %arg4[%get3A_97, %get3A_98] : memref<200x1024xi32, #tpu.memory_space<vmem>>, vector<200x1024xi32>
      %jit3A_100 = arith.constant 100000 : i32
      %broadcast_in_dim3A_101 = vector.broadcast %jit3A_100 : i32 to vector<200x1024xi32>
      %select_n3A_102 = arith.select %lt3A_96, %get3A_99, %broadcast_in_dim3A_101 : vector<200x1024xi1>, vector<200x1024xi32>
      %swap3A_103 = arith.constant 0 : index
      %swap3A_104 = arith.constant 0 : index
      %swap3A_105 = vector.load %arg7[%swap3A_103, %swap3A_104] : memref<200x1024xi32, #tpu.memory_space<vmem>>, vector<200x1024xi32>
      tpu.vector_store %arg7[%swap3A_103, %swap3A_104], %select_n3A_102 {strides = array<i32>} : memref<200x1024xi32, #tpu.memory_space<vmem>>, vector<200x1024xi32>,
    } else {
    }
    return
  }
  func.func @transform_0(%arg0: i32) -> (i32, i32) {
    %c0_i32 = arith.constant 0 : i32
    %c0_i32_0 = arith.constant 0 : i32
    return %arg0, %c0_i32 : i32, i32
  }
  func.func @transform_1(%arg0: i32) -> (i32, i32) {
    %add3A = arith.constant 4 : i32
    %add3A_0 = arith.addi %arg0, %add3A : i32
    %c0_i32 = arith.constant 0 : i32
    %c0_i32_1 = arith.constant 0 : i32
    return %add3A_0, %c0_i32 : i32, i32
  }
  func.func @transform_2(%arg0: i32) -> (i32, i32) {
    %c0_i32 = arith.constant 0 : i32
    %c0_i32_0 = arith.constant 0 : i32
    %c0_i32_1 = arith.constant 0 : i32
    return %c0_i32, %c0_i32_0 : i32, i32
  }
  func.func @transform_3(%arg0: i32) -> (i32, i32) {
    %c0_i32 = arith.constant 0 : i32
    %c0_i32_0 = arith.constant 0 : i32
    %c0_i32_1 = arith.constant 0 : i32
    return %c0_i32, %c0_i32_0 : i32, i32
  }
  func.func @transform_4(%arg0: i32) -> (i32, i32) {
    %c0_i32 = arith.constant 0 : i32
    %c0_i32_0 = arith.constant 0 : i32
    %c0_i32_1 = arith.constant 0 : i32
    return %c0_i32, %c0_i32_0 : i32, i32
  }
  func.func @transform_5(%arg0: i32) -> (i32, i32) {
    %c0_i32 = arith.constant 0 : i32
    %c0_i32_0 = arith.constant 0 : i32
    return %arg0, %c0_i32 : i32, i32
  }
  func.func @transform_6(%arg0: i32) -> (i32, i32) {
    %c0_i32 = arith.constant 0 : i32
    %c0_i32_0 = arith.constant 0 : i32
    %c0_i32_1 = arith.constant 0 : i32
    return %c0_i32, %c0_i32_0 : i32, i32
  }
}

module attributes {stable_mosaic.version = 14 : i64} {
  func.func @_smax_body(%arg0: memref<64x1024xi32, #tpu.memory_space<vmem>>, %arg1: memref<1024x64xf32, #tpu.memory_space<vmem>>) attributes {dimension_semantics = [], scalar_prefetch = 0 : i64, scratch_operands = 0 : i64, tpu.core_type = #tpu.core_type<tc>} {
    %get3A = arith.constant 0 : index
    %get3A_0 = arith.constant 0 : index
    %get3A_1 = vector.load %arg0[%get3A, %get3A_0] : memref<64x1024xi32, #tpu.memory_space<vmem>>, vector<64x1024xi32>
    %convert_element_type3A = arith.sitofp %get3A_1 : vector<64x1024xi32> to vector<64x1024xf32>
    %mul3A = arith.constant 9.765625E-4 : f32
    %mul3A_2 = vector.broadcast %mul3A : f32 to vector<64x1024xf32>
    %mul3A_3 = arith.mulf %convert_element_type3A, %mul3A_2 : vector<64x1024xf32>
    %reduce_max3A = arith.constant dense<0xFF800000> : vector<1024xf32>
    %reduce_max3A_4 = vector.multi_reduction <maximumf>, %mul3A_3, %reduce_max3A [0] : vector<64x1024xf32> to vector<1024xf32>
    %broadcast_in_dim3A = vector.shape_cast %reduce_max3A_4 : vector<1024xf32> to vector<1x1024xf32>
    %sub3A = vector.broadcast %broadcast_in_dim3A : vector<1x1024xf32> to vector<64x1024xf32>
    %sub3A_5 = arith.subf %mul3A_3, %sub3A : vector<64x1024xf32>
    %exp3A = math.exp %sub3A_5 : vector<64x1024xf32>
    %reduce_sum3A = arith.constant dense<0.000000e+00> : vector<1024xf32>
    %reduce_sum3A_6 = vector.multi_reduction <add>, %exp3A, %reduce_sum3A [0] : vector<64x1024xf32> to vector<1024xf32>
    %broadcast_in_dim3A_7 = vector.shape_cast %reduce_sum3A_6 : vector<1024xf32> to vector<1x1024xf32>
    %div3A = vector.broadcast %broadcast_in_dim3A_7 : vector<1x1024xf32> to vector<64x1024xf32>
    %div3A_8 = arith.divf %exp3A, %div3A : vector<64x1024xf32>
    %transpose3A = tpu.transpose %div3A_8, [1, 0] : vector<64x1024xf32> -> vector<1024x64xf32>
    %swap3A = arith.constant 0 : index
    %swap3A_9 = arith.constant 0 : index
    %swap3A_10 = vector.load %arg1[%swap3A, %swap3A_9] : memref<1024x64xf32, #tpu.memory_space<vmem>>, vector<1024x64xf32>
    tpu.vector_store %arg1[%swap3A, %swap3A_9], %transpose3A {strides = array<i32>} : memref<1024x64xf32, #tpu.memory_space<vmem>>, vector<1024x64xf32>,
    return
  }
}

</mosaic_0001>

<sc_bundles>
// kernel: kernel.5.cloned.1.call-start
scs
__scs_entry_jumppad:
0x0: {  	(pc) =	sbr.rel $0x88, $3  }
0x1: {  	(tag) =	ssettag $0x0;
	lr =	simm.s32 $0x1  }
0x2: {  	[smem:$0x3F9D] =	sst lr;
	_ =	strace $0xD0000000  }
0x3: {  	_ = 	snop  }
0x4: {  	_ = 	snop  }
0x5: {  	_ = 	snop  }
0x6: {  	_ = 	snop  }
0x7: {  	_ = 	snop  }
__scs_overlays_trampoline_lowered:
0x8: {  	[smem:$0x3FAC] =	sst s0  }
0x9: {  	[smem:$0x3FAD] =	sst s1  }
0xa: {  	[smem:$0x3FAE] =	sst s2  }
0xb: {  	[smem:$0x3FAF] =	sst s3  }
0xc: {  	[smem:$0x3FB0] =	sst s4  }
0xd: {  	[smem:$0x3FB1] =	sst s5  }
0xe: {  	[smem:$0x3FB2] =	sst s6  }
0xf: {  	[smem:$0x3FB3] =	sst s7  }
0x10: {  	[smem:$0x3FB4] =	sst s8  }
0x11: {  	[smem:$0x3FB5] =	sst s9;
	s0 =	simm.s32 @!p0 $0x0  }
0x12: {  	s1 =	sld [smem:$0x3F9B];
	s0 =	simm.s32 @p0 $0x1  }
0x13: {  	[smem:$0x3FB6] =	sst s0;
	s0 =	simm.s32 @!p1 $0x0  }
0x14: {  	s2 =	sld [smem:$0x3F9A];
	s0 =	simm.s32 @p1 $0x1  }
0x15: {  	[smem:$0x3FB7] =	sst s0;
	s0 =	simm.s32 @!p2 $0x0  }
0x16: {  	s3 =	sld [smem:$0x3FDB];
	s0 =	simm.s32 @p2 $0x1  }
0x17: {  	s4 =	simm.s32 $0x1BF5;
	[smem:$0x3FB9] =	sst s0  }
0x18: {  	s0 =	sld [smem:$0x3F9C];
	_ =	swait.ge [sflag:s4], $0x0  }
0x19: {  	s7 =	sld [smem:$0x3F9D]  }
0x1a: {  	s8 =	sadd.s32 $0xFFFFE003, lr  }
0x1b: {  	s9 =	sadd.s32 $0xFFFFFEF7, lr;
	s5 =	simm.s32 $0xFFFFFFFF;
	p2 =	slt.u32 s8, $0xFFFFF086  }
0x1c: {  	p1 =	slt.u32 s9, $0xF7A;
	s5 =	simm.s32 @!p2 $0x0  }
0x1d: {  	s5 =	simm.s32 @p1 $0x1;
	p0 =	seq.s32 s7, s2  }
0x1e: {  	s7 =	smul.u32 @!p0 $0xF7A, s2;
	p2 =	seq.s32 @!p0 s5, $0x0  }
0x1f: {  	s9 =	smul.u32 $0xF7A, s1;
	s8 =	simm.s32 @!p0 $0x1BF5;
	p2 =	por !p2, p0  }
0x20: {  	[sflag:s8] =	ssyncset.s32 @!p0 $0xFFFFF086;
	s6 =	sadd.s32 @!p0 s3, s7;
	s7 =	simm.s32 @!p0 $0x108  }
0x21: {  	s3 =	sadd.s32 s3, s9;
	s6 =	sadd.s32 @!p0 $0x88, s6;
	s7 =	simm.s32 @p2 $0x1082  }
0x22: {  	[simem:s7], [sflag:s8] =	dma.local @!p0 [hbm:s6], $0xF7A  }
0x23: {  	s9 =	sor.u32 $0xD0000000, s2;
	s6 =	simm.s32 $0x108;
	_ =	swait.ge @!p0 [sflag:s8], $0x0  }
0x24: {  	s3 =	sadd.s32 $0x88, s3;
	s6 =	simm.s32 @!p1 $0x1082;
	[sflag:s4] =	ssyncset.s32 $0xFFFFF086  }
0x25: {  	[simem:s6], [sflag:s4] =	dma.local [hbm:s3], $0xF7A  }
0x26: {  	[smem:$0x3F9D] =	sst s1;
	(tag) =	ssettag s2;
	_ =	strace s9  }
0x27: {  	s1 =	sld [smem:$0x3FAD]  }
0x28: {  	s2 =	sld [smem:$0x3FAE]  }
0x29: {  	s4 =	sld [smem:$0x3FB0]  }
0x2a: {  	p0 =	seq.s32 s5, $0x0;
	s5 =	sld [smem:$0x3FB1]  }
0x2b: {  	s6 =	sld [smem:$0x3FB2]  }
0x2c: {  	s7 =	sld [smem:$0x3FB3]  }
0x2d: {  	s3 =	simm.s32 $0x108;
	s8 =	sld [smem:$0x3FB4]  }
0x2e: {  	s3 =	simm.s32 @!p0 $0x1082;
	s9 =	sld [smem:$0x3FB5]  }
0x2f: {  	lr =	sadd.s32 s0, s3;
	s0 =	sld [smem:$0x3FAC]  }
0x30: {  	s3 =	sld [smem:$0x3FAF]  }
0x31: {  	[smem:$0x3FB8] =	sst s10  }
0x32: {  	s10 =	sld [smem:$0x3FB6];
	_ =	sdelay $0x3  }
0x33: {  	p0 =	seq.s32 s10, $0x1;
	s10 =	sld [smem:$0x3FB8];
	_ =	sdelay $0x3  }
0x34: {  	[smem:$0x3FB8] =	sst s10  }
0x35: {  	s10 =	sld [smem:$0x3FB7];
	_ =	sdelay $0x3  }
0x36: {  	p1 =	seq.s32 s10, $0x1;
	s10 =	sld [smem:$0x3FB8];
	_ =	sdelay $0x3  }
0x37: {  	[smem:$0x3FB8] =	sst s10  }
0x38: {  	s10 =	sld [smem:$0x3FB9]  }
0x39: {  	_ = 	snop;
	(pc) =	sbr.ind lr, $3  }
0x3a: {  	_ = 	snop  }
0x3b: {  	_ = 	snop  }
0x3c: {  	p2 =	seq.s32 s10, $0x1;
	s10 =	sld [smem:$0x3FB8]  }
0x3d: {  	_ =	shalt  }
0x3e: {  	_ =	shalt  }
0x3f: {  	_ =	shalt  }
0x40: {  	_ =	shalt  }
0x41: {  	_ =	shalt  }
0x42: {  	_ =	shalt  }
0x43: {  	_ =	shalt  }
0x44: {  	_ =	shalt  }
0x45: {  	_ =	shalt  }
0x46: {  	_ =	shalt  }
0x47: {  	_ =	shalt  }
0x48: {  	_ =	shalt  }
0x49: {  	_ =	shalt  }
0x4a: {  	_ =	shalt  }
0x4b: {  	_ =	shalt  }
0x4c: {  	_ =	shalt  }
0x4d: {  	_ =	shalt  }
0x4e: {  	_ =	shalt  }
0x4f: {  	_ =	shalt  }
0x50: {  	_ =	shalt  }
0x51: {  	_ =	shalt  }
0x52: {  	_ =	shalt  }
0x53: {  	_ =	shalt  }
0x54: {  	_ =	shalt  }
0x55: {  	_ =	shalt  }
0x56: {  	_ =	shalt  }
0x57: {  	_ =	shalt  }
0x58: {  	_ =	shalt  }
0x59: {  	_ =	shalt  }
0x5a: {  	_ =	shalt  }
0x5b: {  	_ =	shalt  }
0x5c: {  	_ =	shalt  }
0x5d: {  	_ =	shalt  }
0x5e: {  	_ =	shalt  }
0x5f: {  	_ =	shalt  }
0x60: {  	_ =	shalt  }
0x61: {  	_ =	shalt  }
0x62: {  	_ =	shalt  }
0x63: {  	_ =	shalt  }
0x64: {  	_ =	shalt  }
0x65: {  	_ =	shalt  }
0x66: {  	_ =	shalt  }
0x67: {  	_ =	shalt  }
0x68: {  	_ =	shalt  }
0x69: {  	_ =	shalt  }
0x6a: {  	_ =	shalt  }
0x6b: {  	_ =	shalt  }
0x6c: {  	_ =	shalt  }
0x6d: {  	_ =	shalt  }
0x6e: {  	_ =	shalt  }
0x6f: {  	_ =	shalt  }
0x70: {  	_ =	shalt  }
0x71: {  	_ =	shalt  }
0x72: {  	_ =	shalt  }
0x73: {  	_ =	shalt  }
0x74: {  	_ =	shalt  }
0x75: {  	_ =	shalt  }
0x76: {  	_ =	shalt  }
0x77: {  	_ =	shalt  }
0x78: {  	_ =	shalt  }
0x79: {  	_ =	shalt  }
0x7a: {  	_ =	shalt  }
0x7b: {  	_ =	shalt  }
0x7c: {  	_ =	shalt  }
0x7d: {  	_ =	shalt  }
0x7e: {  	_ =	shalt  }
0x7f: {  	_ =	shalt  }
0x80: {  	_ =	shalt  }
0x81: {  	_ =	shalt  }
0x82: {  	_ =	shalt  }
0x83: {  	_ =	shalt  }
0x84: {  	_ =	shalt  }
0x85: {  	_ =	shalt  }
0x86: {  	_ =	shalt  }
0x87: {  	_ =	shalt  }
.Lfunc_end0:
.L_simem_size_0:
called_computation_lowered:
.L_overlay_start_0:
0x88: {  	s2 =	sld [smem:$0x3FD9]  }
0x89: {  	s3 =	sld [smem:$0x3FFE];
	_ =	sdelay $0x1  }
0x8a: {  	s1 =	srdreg.scid  }
0x8b: {  	s0 =	sand.u32 $0x1, s1  }
0x8c: {  	s17 =	sshll.u32 s0, $0xA;
	s2 =	sadd.s32 s3, s2  }
0x8d: {  	s2 =	sadd.s32 s2, s17  }
0x8e: {  	[smem:$0x3FC4] =	sst s2  }
0x8f: {  	_ = 	snop  }
0x90: {  	s2 =	sld [smem:$0x3FD0];
	(tm) =	ssettm $0x1  }
0x91: {  	s18 =	sld [smem:$0x3FFB];
	_ =	sdelay $0x3  }
0x92: {  	_ =	strace s18  }
0x93: {  	s3 =	sld [smem:$0x3FFC];
	_ =	sdelay $0x3  }
0x94: {  	_ =	strace s3  }
0x95: {  	s3 =	sld [smem:$0x3FFD];
	_ =	sdelay $0x3  }
0x96: {  	_ =	strace s3  }
0x97: {  	_ =	strace $0x8FFFFFFF  }
0x98: {  	s19 =	sld [smem:$0x3FDB];
	_ =	sdelay $0x1  }
0x99: {  	s4 =	simm.s32 $_scs_section_size  }
0x9a: {  	s5 =	simm.s32 $_size__tile_overlayer_lowered;
	s6 =	simm.s32 $_tile_overlayer_lowered  }
0x9b: {  	s22 =	simm.s32 $0x1BFF;
	s21 =	sshll.u32 s6, $0x1;
	s3 =	sadd.s32 s4, s19  }
0x9c: {  	s7 =	simm.s32 $0x0;
	s20 =	sshll.u32 s5, $0x1;
	s5 =	sadd.s32 s21, s3  }
0x9d: {  	[timem:s7], [sflag:s22] =	dma.local [hbm:s5], s20  }
0x9e: {  	_ =	swait.ge [sflag:s22], s20  }
0x9f: {  	s4 =	ssub.s32 $0x0, s20;
	[sflag:s22] =	ssyncset.done $0x0  }
0xa0: {  	[sflag:s22] =	ssyncadd.s32 s4;
	_ =	sdelay $0x1  }
0xa1: {  	s23 =	simm.s32 $0x1B8B  }
0xa2: {  	_ =	swait.ge [sflag:s23], $0x1  }
0xa3: {  	[sflag:s23] =	ssyncset.done $0x0  }
0xa4: {  	s25 =	simm.s32 $0x1B8E;
	s24 =	sld [smem:$0x3FFE];
	[sflag:s23] =	ssyncadd.s32 $0xFFFFFFFF  }
0xa5: {  	s26 =	simm.s32 $execute0_lowered;
	[smem:$0x3FD2] =	sst s25  }
0xa6: {  	s5 =	sshll.u32 s26, $0x1;
	_ =	strace $0x80000046;
	[dreg:$0x1] =	wrdreg $0xFFFFFFFF  }
0xa7: {  	s28 =	simm.s32 $_size_execute0_lowered;
	s3 =	sadd.s32 s3, s5;
	[dreg:$0x0] =	wrdreg $0x0  }
0xa8: {  	s5 =	sshll.u32 s28, $0x1;
	[dreg:$0x2] =	wrdreg s3  }
0xa9: {  	[dreg:$0x3] =	wrdreg s5  }
0xaa: {  	[dreg:$0x4] =	wrdreg $0xC0  }
0xab: {  	_ =	task [dreg:s7], $0x5FFFF  }
0xac: {  	[dreg:$0x1] =	wrdreg $0xFFFFFFFF  }
0xad: {  	[dreg:$0x0] =	wrdreg $0x60  }
0xae: {  	[dreg:$0x2] =	wrdreg s24  }
0xaf: {  	[dreg:$0x3] =	wrdreg s2  }
0xb0: {  	[dreg:$0x4] =	wrdreg $0x9  }
0xb1: {  	_ =	task.clear_ibuf [dreg:s7], $0x5FFFF;
	_ =	strace $0x90000046  }
0xb2: {  	s29 =	simm.s32 $0x9;
	_ =	strace $0x80000048  }
0xb3: {  	_ =	swait.ge [sflag:s29], $0x1  }
0xb4: {  	[sflag:s29] =	ssyncadd.s32 $0xFFFFFFFF  }
0xb5: {  	_ =	strace $0x90000048  }
0xb6: {  	_ =	sfence  }
0xb7: {  	s30 =	sld [smem:$0x0];
	_ =	sdelay $0x2  }
0xb8: {  	s31 =	sshll.u32 s1, $0xD;
	s1 =	sshrl.u32 s1, $0x2  }
0xb9: {  	s3 =	sand.u32 $0x4000, s31;
	s1 =	sadd.s32 s1, s30  }
0xba: {  	s0 =	sor.u32 s3, s0;
	s1 =	sshll.u32 s1, $0x11  }
0xbb: {  	s0 =	sor.u32 s1, s0  }
0xbc: {  	s0 =	sadd.s32 $0x8F2B, s0  }
0xbd: {  	[sflag:s0] =	ssyncadd.remote.s32 $0x1  }
0xbe: {  	_ =	sfence.sel $0xFFFF  }
0xbf: {  	[dreg:$0x0] =	wrdreg $0xFFFFFFFF;
	(pc) =	sbr.abs _section_cstart, $3  }
0xc0: {  	[dreg:$0x1] =	wrdreg $0xFFFFFFFF  }
0xc1: {  	_ =	task.clear_ibuf [dreg:s7], $0x2FFFF;
	_ =	strace $0x9FFFFFFF  }
0xc2: {  	(tm) =	ssettm $0x7FFFFFFF  }
0xc3: {  	_ =	shalt  }
tec
execute0_lowered:
.L_overlay_start_1:
0x0: {  	(tag) =	ssettag $0x1  }
0x1: {  	s3 =	rddreg [dreg:$0x0]  }
0x2: {  	s1 =	srdreg.scid;
	s0 =	stileid.u32  }
0x3: {  	s4 =	rddreg [dreg:$0x1];
	s2 =	simm.s32 $0x0;
	s9 =	simm.s32 $0x18700  }
0x4: {  	s10 =	simm.s32 $0x1AF00;
	s11 =	simm.s32 $0x1;
	s12 =	simm.s32 $0x2  }
0x5: {  	s13 =	simm.s32 $0x1D700;
	s14 =	simm.s32 $0x1DB00;
	s15 =	simm.s32 $0x0  }
0x6: {  	s5 =	sand.u32 $0x1, s1;
	s6 =	sshll.u32 s0, $0x1;
	s1 =	rddreg [dreg:$0x2]  }
0x7: {  	[smem:$0x7FF] =	sst s2;
	s6 =	sor.u32 s5, s6;
	s5 =	ssub.s32 $0x2, s5  }
0x8: {  	s7 =	smul.u32 $0x30E0, s6;
	s6 =	sshll.u32 s6, $0x7;
	s8 =	sshrl.u32 s5, $0x1  }
0x9: {  	_ =	strace $0x80000047;
	s4 =	sadd.s32 s4, s6;
	s8 =	ssub.s32 s5, s8  }
0xa: {  	s7 =	sadd.s32 s7, s3;
	s3 =	sadd.s32 $0x62600, s3;
	s6 =	sadd.s32 $0x1000, s4  }
0xb: {  	v0 =	vimm.s32 $0x0;
	s5 =	sadd.s32 $0xA00, s7;
	s7 =	smax.u32 s8, $0x1;
	s8 =	simm.s32 $0x3  }
.LBB2_1:
0xc: {  	[tilespmem:s2], [sflag:$0x3] =	stream.linear.gather [hbm4b:s5+s2], $0x18700, $0x38;
	[tilespmem:$0x1DF00] =	vst v63  }
0xd: {  	_ =	swait.ge [sflag:s8], $0x18700  }
0xe: {  	[sflag:s8] =	ssyncset.done $0x0  }
0xf: {  	s16 =	simm.s32 $0x40;
	s17 =	simm.s32 $0x0;
	[sflag:s8] =	ssyncadd.s32 $0xFFFE7900  }
.LBB2_2:
0x10: {  	p0 =	sne.s32 s16, $0xFC0;
	[tilespmem:s17+$0x1D700] =	vst v0;
	s18 =	smov.u32 s16;
	s16 =	sadd.s32 $0x40, s16  }
.Ltmp0:
0x11: {  	[tilespmem:s17+$0x1DB00] =	vst v0;
	(pc) =	sbr.rel @p0 .LBB2_2-.Ltmp0, $2  }
0x12: {  	_ =	sdelay $0x2  }
0x13: {  	s17 =	sshra.s32 s18, $0x2  }
0x14: {  	[tilespmem:s17+$0x1D700] =	vst v0  }
0x15: {  	[tilespmem:s17+$0x1DB00] =	vst v0;
	s16 =	simm.s32 $0x0;
	s17 =	simm.s32 $0x0  }
0x16: {  	[tilespmem:s9], [sflag:$0x1] =	stream.linear.gather [hbm4b:s3+s16], $0x2800, $0x38;
	[tilespmem:$0x1DF00] =	vst v63  }
.LBB2_4:
0x17: {  	s18 =	smul.u32 $0x5000, s17;
	_ =	sdelay $0x1  }
0x18: {  	s19 =	sshrl.u32 s18, $0x3  }
0x19: {  	s19 =	sadd.s32 s3, s19  }
0x1a: {  	s19 =	sadd.s32 $0x500, s19  }
0x1b: {  	[tilespmem:s10], [sflag:$0x2] =	stream.linear.gather [hbm4b:s19+s16], $0x2800, $0x38;
	[tilespmem:$0x1DF00] =	vst v63  }
0x1c: {  	_ =	swait.ge [sflag:s11], $0x2800  }
0x1d: {  	[sflag:s11] =	ssyncset.done $0x0  }
0x1e: {  	s20 =	simm.s32 $0x0;
	s19 =	simm.s32 $0xFFFFFFF0;
	[sflag:s11] =	ssyncadd.s32 $0xFFFFD800  }
.LBB2_5:
0x1f: {  	s21 =	sshra.s32 s20, $0x2  }
0x20: {  	v1 =	vld [tilespmem:s21+$0x18700]  }
0x21: {  	v2 =	vld [tilespmem:s21+$0x18B00]  }
0x22: {  	v3 =	vld [tilespmem:s21+$0x18F00]  }
0x23: {  	v4 =	vld [tilespmem:s21+$0x19300]  }
0x24: {  	v5 =	vld [tilespmem:s21+$0x19700]  }
0x25: {  	v6 =	vld [tilespmem:s21+$0x19B00]  }
0x26: {  	v7 =	vld [tilespmem:s21+$0x19F00]  }
0x27: {  	v8 =	vld [tilespmem:s21+$0x1A300]  }
0x28: {  	v9 =	vld [tilespmem:s21+$0x1A700]  }
0x29: {  	v10 =	vld [tilespmem:s21+$0x1AB00]  }
0x2a: {  	v14 =	vld [tilespmem:s21+$0x18710]  }
0x2b: {  	v15 =	vld [tilespmem:s21+$0x18B10]  }
0x2c: {  	v16 =	vld [tilespmem:s21+$0x18F10]  }
0x2d: {  	v45 =	vld [tilespmem:s21+$0x19310]  }
0x2e: {  	v46 =	vld [tilespmem:s21+$0x19710]  }
0x2f: {  	v50 =	vld [tilespmem:s21+$0x19B10]  }
0x30: {  	v17 =	vld [tilespmem:s21+$0x19F10]  }
0x31: {  	v18 =	vld [tilespmem:s21+$0x1A310]  }
0x32: {  	v19 =	vld [tilespmem:s21+$0x1A710]  }
0x33: {  	v20 =	vld [tilespmem:s21+$0x1AB10]  }
0x34: {  	v21 =	vld [tilespmem:s21+$0x18720]  }
0x35: {  	v22 =	vld [tilespmem:s21+$0x18B20]  }
0x36: {  	v23 =	vld [tilespmem:s21+$0x18F20]  }
0x37: {  	v52 =	vld [tilespmem:s21+$0x19720]  }
0x38: {  	v53 =	vld [tilespmem:s21+$0x19B20]  }
0x39: {  	v55 =	vld [tilespmem:s21+$0x19F20]  }
0x3a: {  	v57 =	vld [tilespmem:s21+$0x1A320]  }
0x3b: {  	v58 =	vld [tilespmem:s21+$0x1A720]  }
0x3c: {  	v24 =	vld [tilespmem:s21+$0x1AB20]  }
0x3d: {  	v29 =	vld [tilespmem:s21+$0x18730]  }
0x3e: {  	v1 =	vld.idx.msk [tilespmem:v1+s2+$0x0], $0xffff  }
0x3f: {  	v2 =	vld.idx.msk [tilespmem:v2+s2+$0x0], $0xffff  }
0x40: {  	v3 =	vld.idx.msk [tilespmem:v3+s2+$0x0], $0xffff  }
0x41: {  	v4 =	vld.idx.msk [tilespmem:v4+s2+$0x0], $0xffff  }
0x42: {  	v5 =	vld.idx.msk [tilespmem:v5+s2+$0x0], $0xffff  }
0x43: {  	v6 =	vld.idx.msk [tilespmem:v6+s2+$0x0], $0xffff  }
0x44: {  	v7 =	vld.idx.msk [tilespmem:v7+s2+$0x0], $0xffff  }
0x45: {  	v8 =	vld.idx.msk [tilespmem:v8+s2+$0x0], $0xffff  }
0x46: {  	v9 =	vld.idx.msk [tilespmem:v9+s2+$0x0], $0xffff  }
0x47: {  	v10 =	vld.idx.msk [tilespmem:v10+s2+$0x0], $0xffff  }
0x48: {  	v47 =	vld.idx.msk [tilespmem:v14+s2+$0x0], $0xffff  }
0x49: {  	v48 =	vld.idx.msk [tilespmem:v15+s2+$0x0], $0xffff  }
0x4a: {  	v49 =	vld.idx.msk [tilespmem:v16+s2+$0x0], $0xffff  }
0x4b: {  	v16 =	vld.idx.msk [tilespmem:v50+s2+$0x0], $0xffff  }
0x4c: {  	v17 =	vld.idx.msk [tilespmem:v17+s2+$0x0], $0xffff  }
0x4d: {  	v18 =	vld.idx.msk [tilespmem:v18+s2+$0x0], $0xffff  }
0x4e: {  	v19 =	vld.idx.msk [tilespmem:v19+s2+$0x0], $0xffff  }
0x4f: {  	v51 =	vld.idx.msk [tilespmem:v21+s2+$0x0], $0xffff;
	v11 =	vshll.u32 v1, $0x10;
	v12 =	vshll.u32 v2, $0x10;
	v13 =	vshll.u32 v3, $0x10  }
0x50: {  	v20 =	vld.idx.msk [tilespmem:v20+s2+$0x0], $0xffff;
	v31 =	vshll.u32 v4, $0x10;
	v33 =	vshll.u32 v5, $0x10;
	v35 =	vshll.u32 v6, $0x10  }
0x51: {  	v54 =	vld.idx.msk [tilespmem:v23+s2+$0x0], $0xffff;
	v37 =	vshll.u32 v7, $0x10;
	v39 =	vshll.u32 v8, $0x10;
	v41 =	vshll.u32 v9, $0x10  }
0x52: {  	v14 =	vld.idx.msk [tilespmem:v24+s2+$0x0], $0xffff;
	v43 =	vshll.u32 v10, $0x10;
	v1 =	vshra.s32 v1, $0x10;
	v2 =	vshra.s32 v2, $0x10  }
0x53: {  	v50 =	vld [tilespmem:s21+$0x19B30];
	v56 =	vshll.u32 v48, $0x10;
	v59 =	vshra.s32 v48, $0x10;
	v60 =	vshll.u32 v49, $0x10  }
0x54: {  	v63 =	vshra.s32 v49, $0x10;
	v48 =	vshll.u32 v51, $0x10;
	v30 =	vshra.s32 v13, $0x10;
	v13 =	vld.idx.msk [tilespmem:v45+s2+$0x0], $0xffff  }
0x55: {  	v11 =	vshra.s32 v11, $0x10;
	v1 =	vadd.s32 v1, v2;
	v2 =	vshra.s32 v3, $0x10;
	v3 =	vld [tilespmem:s21+$0x19320]  }
0x56: {  	v12 =	vshra.s32 v12, $0x10;
	v32 =	vshra.s32 v31, $0x10;
	v34 =	vshra.s32 v33, $0x10;
	v45 =	vld [tilespmem:s21+$0x19330]  }
0x57: {  	v36 =	vshra.s32 v35, $0x10;
	v38 =	vshra.s32 v37, $0x10;
	v62 =	vshra.s32 v60, $0x10;
	v60 =	vld [tilespmem:s21+$0x1A730]  }
0x58: {  	v1 =	vadd.s32 v2, v1;
	v2 =	vshra.s32 v4, $0x10;
	v4 =	vshra.s32 v51, $0x10;
	v51 =	vld [tilespmem:s21+$0x19F30]  }
0x59: {  	v11 =	vadd.s32 v11, v12;
	v1 =	vadd.s32 v2, v1;
	v2 =	vshra.s32 v5, $0x10;
	v5 =	vld.idx.msk [tilespmem:v22+s2+$0x0], $0xffff  }
0x5a: {  	v11 =	vadd.s32 v30, v11;
	v1 =	vadd.s32 v2, v1;
	v2 =	vshra.s32 v6, $0x10;
	v6 =	vld.idx.msk [tilespmem:v52+s2+$0x0], $0xffff  }
0x5b: {  	v11 =	vadd.s32 v32, v11;
	v1 =	vadd.s32 v2, v1;
	v2 =	vshra.s32 v7, $0x10;
	v7 =	vld.idx.msk [tilespmem:v53+s2+$0x0], $0xffff  }
0x5c: {  	v40 =	vshra.s32 v39, $0x10;
	v52 =	vshll.u32 v54, $0x10;
	v11 =	vadd.s32 v34, v11;
	v34 =	vld.idx.msk [tilespmem:v57+s2+$0x0], $0xffff  }
0x5d: {  	v1 =	vadd.s32 v2, v1;
	v2 =	vshra.s32 v8, $0x10;
	v8 =	vshra.s32 v54, $0x10;
	v54 =	vld [tilespmem:s21+$0x1A330]  }
0x5e: {  	v11 =	vadd.s32 v36, v11;
	v1 =	vadd.s32 v2, v1;
	v2 =	vshra.s32 v9, $0x10;
	v9 =	vld.idx.msk [tilespmem:v55+s2+$0x0], $0xffff  }
0x5f: {  	v42 =	vshra.s32 v41, $0x10;
	v44 =	vshra.s32 v43, $0x10;
	v11 =	vadd.s32 v38, v11;
	v38 =	vld [tilespmem:s21+$0x18B30]  }
0x60: {  	v31 =	vshll.u32 v16, $0x10;
	v33 =	vshra.s32 v16, $0x10;
	v11 =	vadd.s32 v40, v11;
	v61 =	vld.idx.msk [tilespmem:v3+s2+$0x0], $0xffff  }
0x61: {  	v35 =	vshll.u32 v17, $0x10;
	v12 =	vshra.s32 v47, $0x10;
	v11 =	vadd.s32 v42, v11;
	v42 =	vld [tilespmem:s21+$0x18F30]  }
0x62: {  	v1 =	vadd.s32 v2, v1;
	v2 =	vshra.s32 v10, $0x10;
	v3 =	vadd.s32 v12, v59;
	v12 =	vld.idx.msk [tilespmem:v29+s2+$0x0], $0xffff  }
0x63: {  	v37 =	vshll.u32 v18, $0x10;
	v1 =	vadd.s32 v2, v1;
	v2 =	vshll.u32 v47, $0x10;
	v47 =	vld [tilespmem:s21+$0x19730]  }
0x64: {  	v41 =	vshll.u32 v19, $0x10;
	v39 =	vshra.s32 v37, $0x10;
	v40 =	vshra.s32 v18, $0x10;
	v18 =	vld.idx.msk [tilespmem:v45+s2+$0x0], $0xffff  }
0x65: {  	v43 =	vshra.s32 v41, $0x10;
	v11 =	vadd.s32 v44, v11;
	v3 =	vadd.s32 v63, v3;
	v63 =	vld.idx.msk [tilespmem:v50+s2+$0x0], $0xffff  }
0x66: {  	v32 =	vshra.s32 v31, $0x10;
	v25 =	vshll.u32 v13, $0x10;
	v10 =	vshra.s32 v56, $0x10;
	[tilespmem:s21+$0x1D700] =	vst.add.s32.msk $0xffff, v11  }
0x67: {  	v49 =	vshll.u32 v5, $0x10;
	v5 =	vshra.s32 v5, $0x10;
	v2 =	vshra.s32 v2, $0x10;
	v11 =	vld.idx.msk [tilespmem:v46+s2+$0x0], $0xffff  }
0x68: {  	v44 =	vshll.u32 v20, $0x10;
	v2 =	vadd.s32 v2, v10;
	v10 =	vshra.s32 v25, $0x10;
	v25 =	vld.idx.msk [tilespmem:v51+s2+$0x0], $0xffff  }
0x69: {  	v26 =	vshra.s32 v13, $0x10;
	v4 =	vadd.s32 v4, v5;
	v15 =	vshra.s32 v44, $0x10;
	v44 =	vld [tilespmem:s21+$0x19740]  }
0x6a: {  	v36 =	vshra.s32 v17, $0x10;
	v4 =	vadd.s32 v8, v4;
	v2 =	vadd.s32 v62, v2;
	[tilespmem:s21+$0x1DB00] =	vst.add.s32.msk $0xffff, v1  }
0x6b: {  	v3 =	vadd.s32 v26, v3;
	v2 =	vadd.s32 v10, v2;
	v10 =	vshra.s32 v35, $0x10;
	v35 =	vld [tilespmem:s21+$0x18B40]  }
0x6c: {  	v26 =	vshll.u32 v34, $0x10;
	v24 =	vshll.u32 v9, $0x10;
	v9 =	vshra.s32 v9, $0x10;
	v29 =	vld.idx.msk [tilespmem:v54+s2+$0x0], $0xffff  }
0x6d: {  	v55 =	vshll.u32 v61, $0x10;
	v57 =	vshra.s32 v61, $0x10;
	v61 =	vshll.u32 v7, $0x10;
	v17 =	vld.idx.msk [tilespmem:v38+s2+$0x0], $0xffff  }
0x6e: {  	v7 =	vshra.s32 v7, $0x10;
	v4 =	vadd.s32 v57, v4;
	v62 =	vshra.s32 v61, $0x10;
	v38 =	vld.idx.msk [tilespmem:v60+s2+$0x0], $0xffff  }
0x6f: {  	v27 =	vshll.u32 v11, $0x10;
	v30 =	vshra.s32 v11, $0x10;
	v11 =	vld.idx.msk [tilespmem:v58+s2+$0x0], $0xffff;
	v58 =	vshll.u32 v6, $0x10  }
0x70: {  	v61 =	vld [tilespmem:s21+$0x1A340];
	v6 =	vshra.s32 v6, $0x10;
	v28 =	vshra.s32 v27, $0x10;
	v3 =	vadd.s32 v30, v3  }
0x71: {  	v56 =	vld.idx.msk [tilespmem:v42+s2+$0x0], $0xffff;
	v59 =	vshra.s32 v58, $0x10;
	v4 =	vadd.s32 v6, v4;
	v6 =	vshra.s32 v24, $0x10  }
0x72: {  	v27 =	vld [tilespmem:s21+$0x1AB30];
	v30 =	vshra.s32 v34, $0x10;
	v58 =	vshll.u32 v25, $0x10;
	v2 =	vadd.s32 v28, v2  }
0x73: {  	v3 =	vadd.s32 v33, v3;
	v4 =	vadd.s32 v7, v4;
	v7 =	vshra.s32 v25, $0x10;
	v25 =	vld [tilespmem:s21+$0x1A740]  }
0x74: {  	v28 =	vshra.s32 v26, $0x10;
	v2 =	vadd.s32 v32, v2;
	v3 =	vadd.s32 v36, v3;
	v32 =	vld [tilespmem:s21+$0x18740]  }
0x75: {  	v2 =	vadd.s32 v10, v2;
	v3 =	vadd.s32 v40, v3;
	v40 =	vld [tilespmem:s21+$0x18F40];
	v24 =	vshll.u32 v38, $0x10  }
0x76: {  	v4 =	vadd.s32 v9, v4;
	v2 =	vadd.s32 v39, v2;
	v26 =	vshra.s32 v24, $0x10;
	v24 =	vld [tilespmem:s21+$0x1AB50]  }
0x77: {  	v4 =	vadd.s32 v30, v4;
	v36 =	vshra.s32 v11, $0x10;
	v2 =	vadd.s32 v43, v2;
	v43 =	vld [tilespmem:s21+$0x19340]  }
0x78: {  	v46 =	vshra.s32 v19, $0x10;
	v4 =	vadd.s32 v36, v4;
	v36 =	vld [tilespmem:s21+$0x18F50]  }
0x79: {  	v10 =	vadd.s32 v46, v3;
	v3 =	vadd.s32 v15, v2;
	v15 =	vld.idx.msk [tilespmem:v47+s2+$0x0], $0xffff  }
0x7a: {  	v2 =	vshra.s32 v20, $0x10;
	v20 =	vld.idx.msk [tilespmem:v35+s2+$0x0], $0xffff  }
0x7b: {  	v35 =	vld [tilespmem:s21+$0x18B50]  }
0x7c: {  	v39 =	vshra.s32 v14, $0x10;
	v2 =	vadd.s32 v2, v10;
	v10 =	vshra.s32 v48, $0x10;
	v48 =	vld [tilespmem:s21+$0x19B40]  }
0x7d: {  	v4 =	vadd.s32 v39, v4;
	[tilespmem:s21+$0x1D710] =	vst.add.s32.msk $0xffff, v3  }
0x7e: {  	[tilespmem:s21+$0x1DB20] =	vst.add.s32.msk $0xffff, v4  }
0x7f: {  	v19 =	vshra.s32 v49, $0x10;
	v21 =	vld.idx.msk [tilespmem:v27+s2+$0x0], $0xffff  }
0x80: {  	v10 =	vadd.s32 v10, v19;
	v19 =	vld.idx.msk [tilespmem:v61+s2+$0x0], $0xffff  }
0x81: {  	v53 =	vshra.s32 v52, $0x10;
	v41 =	vshll.u32 v12, $0x10;
	[tilespmem:s21+$0x1DB10] =	vst.add.s32.msk $0xffff, v2  }
0x82: {  	v12 =	vshra.s32 v12, $0x10;
	v49 =	vshll.u32 v18, $0x10;
	v5 =	vadd.s32 v53, v10;
	v53 =	vld [tilespmem:s21+$0x19F40]  }
0x83: {  	v18 =	vshra.s32 v18, $0x10;
	v8 =	vshra.s32 v55, $0x10;
	v34 =	vshll.u32 v14, $0x10;
	v16 =	vld.idx.msk [tilespmem:v25+s2+$0x0], $0xffff  }
0x84: {  	v55 =	vshll.u32 v63, $0x10;
	v37 =	vshra.s32 v34, $0x10;
	v60 =	vshll.u32 v29, $0x10;
	v50 =	vld.idx.msk [tilespmem:v32+s2+$0x0], $0xffff  }
0x85: {  	v23 =	vshra.s32 v29, $0x10;
	v42 =	vshll.u32 v17, $0x10;
	v45 =	vshra.s32 v17, $0x10;
	v32 =	vld [tilespmem:s21+$0x18750]  }
0x86: {  	v29 =	vshra.s32 v38, $0x10;
	v31 =	vshll.u32 v11, $0x10;
	v5 =	vadd.s32 v8, v5;
	v11 =	vld.idx.msk [tilespmem:v40+s2+$0x0], $0xffff  }
0x87: {  	v14 =	vshra.s32 v42, $0x10;
	v46 =	vshll.u32 v56, $0x10;
	v5 =	vadd.s32 v59, v5;
	v59 =	vld.idx.msk [tilespmem:v44+s2+$0x0], $0xffff  }
0x88: {  	v12 =	vadd.s32 v12, v45;
	v33 =	vshra.s32 v31, $0x10;
	v47 =	vshra.s32 v46, $0x10;
	v40 =	vld [tilespmem:s21+$0x19350]  }
0x89: {  	v10 =	vshra.s32 v56, $0x10;
	v56 =	vshra.s32 v55, $0x10;
	v51 =	vshll.u32 v15, $0x10;
	v44 =	vld [tilespmem:s21+$0x19750]  }
0x8a: {  	v10 =	vadd.s32 v10, v12;
	v12 =	vshra.s32 v49, $0x10;
	v52 =	vshra.s32 v51, $0x10;
	v51 =	vld [tilespmem:s21+$0x19B50]  }
0x8b: {  	v8 =	vshra.s32 v63, $0x10;
	v10 =	vadd.s32 v18, v10;
	v54 =	vshra.s32 v15, $0x10;
	v57 =	vld.idx.msk [tilespmem:v43+s2+$0x0], $0xffff  }
0x8c: {  	v34 =	vshll.u32 v20, $0x10;
	v5 =	vadd.s32 v62, v5;
	v10 =	vadd.s32 v54, v10;
	v49 =	vld.idx.msk [tilespmem:v36+s2+$0x0], $0xffff  }
0x8d: {  	v5 =	vadd.s32 v6, v5;
	v27 =	vshll.u32 v21, $0x10;
	v31 =	vshra.s32 v21, $0x10;
	v21 =	vld [tilespmem:s21+$0x1A370]  }
0x8e: {  	v6 =	vshra.s32 v41, $0x10;
	v8 =	vadd.s32 v8, v10;
	v5 =	vadd.s32 v28, v5;
	v28 =	vld [tilespmem:s21+$0x1AB40]  }
0x8f: {  	v18 =	vshra.s32 v34, $0x10;
	v6 =	vadd.s32 v6, v14;
	v7 =	vadd.s32 v7, v8;
	v63 =	vld.idx.msk [tilespmem:v48+s2+$0x0], $0xffff  }
0x90: {  	v5 =	vadd.s32 v33, v5;
	v6 =	vadd.s32 v47, v6;
	v7 =	vadd.s32 v23, v7;
	v47 =	vld.idx.msk [tilespmem:v35+s2+$0x0], $0xffff  }
0x91: {  	v6 =	vadd.s32 v12, v6;
	v42 =	vshll.u32 v59, $0x10;
	v12 =	vshra.s32 v59, $0x10;
	v59 =	vld [tilespmem:s21+$0x1A350]  }
0x92: {  	v33 =	vshll.u32 v50, $0x10;
	v14 =	vshra.s32 v50, $0x10;
	v5 =	vadd.s32 v37, v5;
	v30 =	vld.idx.msk [tilespmem:v53+s2+$0x0], $0xffff  }
0x93: {  	v50 =	vshll.u32 v19, $0x10;
	v7 =	vadd.s32 v29, v7;
	v8 =	vshra.s32 v33, $0x10;
	[tilespmem:s21+$0x1D720] =	vst.add.s32.msk $0xffff, v5  }
0x94: {  	v38 =	vshll.u32 v11, $0x10;
	v6 =	vadd.s32 v52, v6;
	v52 =	vshra.s32 v50, $0x10;
	v50 =	vld [tilespmem:s21+$0x1A760]  }
0x95: {  	v8 =	vadd.s32 v8, v18;
	v39 =	vshra.s32 v38, $0x10;
	v6 =	vadd.s32 v56, v6;
	v56 =	vld [tilespmem:s21+$0x19F50]  }
0x96: {  	v37 =	vshra.s32 v20, $0x10;
	v7 =	vadd.s32 v31, v7;
	v8 =	vadd.s32 v39, v8;
	v39 =	vld.idx.msk [tilespmem:v24+s2+$0x0], $0xffff  }
0x97: {  	v55 =	vshll.u32 v16, $0x10;
	v11 =	vshra.s32 v11, $0x10;
	v14 =	vadd.s32 v14, v37;
	[tilespmem:s21+$0x1DB30] =	vst.add.s32.msk $0xffff, v7  }
0x98: {  	v41 =	vshll.u32 v57, $0x10;
	v15 =	vshra.s32 v57, $0x10;
	v57 =	vshra.s32 v55, $0x10;
	v55 =	vld [tilespmem:s21+$0x19370]  }
0x99: {  	v10 =	vshra.s32 v58, $0x10;
	v9 =	vshra.s32 v27, $0x10;
	v11 =	vadd.s32 v11, v14;
	v53 =	vld.idx.msk [tilespmem:v40+s2+$0x0], $0xffff  }
0x9a: {  	v43 =	vshra.s32 v42, $0x10;
	v27 =	vshll.u32 v49, $0x10;
	v11 =	vadd.s32 v15, v11;
	v15 =	vld.idx.msk [tilespmem:v44+s2+$0x0], $0xffff  }
0x9b: {  	v6 =	vadd.s32 v10, v6;
	v14 =	vshra.s32 v41, $0x10;
	v29 =	vshra.s32 v27, $0x10;
	v27 =	vld [tilespmem:s21+$0x18780]  }
0x9c: {  	v8 =	vadd.s32 v14, v8;
	v45 =	vshll.u32 v63, $0x10;
	v10 =	vshra.s32 v63, $0x10;
	v63 =	vld [tilespmem:s21+$0x1A750]  }
0x9d: {  	v62 =	vshra.s32 v60, $0x10;
	v8 =	vadd.s32 v43, v8;
	v43 =	vld [tilespmem:s21+$0x18760]  }
0x9e: {  	v6 =	vadd.s32 v62, v6;
	v46 =	vshra.s32 v45, $0x10;
	v45 =	vld [tilespmem:s21+$0x19360]  }
0x9f: {  	v23 =	vshll.u32 v47, $0x10;
	v6 =	vadd.s32 v26, v6;
	v26 =	vshra.s32 v47, $0x10;
	v47 =	vld [tilespmem:s21+$0x19B60]  }
0xa0: {  	v25 =	vshra.s32 v23, $0x10;
	v23 =	vld [tilespmem:s21+$0x1A770]  }
0xa1: {  	v17 =	vld.idx.msk [tilespmem:v28+s2+$0x0], $0xffff  }
0xa2: {  	v6 =	vadd.s32 v9, v6;
	v9 =	vld.idx.msk [tilespmem:v32+s2+$0x0], $0xffff  }
0xa3: {  	v28 =	vld.idx.msk [tilespmem:v51+s2+$0x0], $0xffff  }
0xa4: {  	v8 =	vadd.s32 v46, v8;
	v46 =	vld [tilespmem:s21+$0x19760]  }
0xa5: {  	v48 =	vshll.u32 v30, $0x10;
	v13 =	vshra.s32 v30, $0x10;
	v30 =	vshra.s32 v49, $0x10;
	v49 =	vld [tilespmem:s21+$0x1A360]  }
0xa6: {  	v51 =	vld [tilespmem:s21+$0x1AB60]  }
0xa7: {  	v11 =	vadd.s32 v12, v11;
	[tilespmem:s21+$0x1D730] =	vst.add.s32.msk $0xffff, v6  }
0xa8: {  	v10 =	vadd.s32 v10, v11;
	v11 =	vshra.s32 v48, $0x10;
	v48 =	vld [tilespmem:s21+$0x19F60]  }
0xa9: {  	v54 =	vshra.s32 v19, $0x10;
	v35 =	vld.idx.msk [tilespmem:v59+s2+$0x0], $0xffff  }
0xaa: {  	v10 =	vadd.s32 v13, v10;
	v31 =	vshll.u32 v53, $0x10;
	v33 =	vshra.s32 v53, $0x10;
	v53 =	vld [tilespmem:s21+$0x18B70]  }
0xab: {  	v8 =	vadd.s32 v11, v8;
	v10 =	vadd.s32 v54, v10;
	v54 =	vld [tilespmem:s21+$0x18F70]  }
0xac: {  	v60 =	vshra.s32 v16, $0x10;
	v8 =	vadd.s32 v52, v8;
	v52 =	vld [tilespmem:s21+$0x18770]  }
0xad: {  	v10 =	vadd.s32 v60, v10;
	v60 =	vld [tilespmem:s21+$0x19F70]  }
0xae: {  	v32 =	vld.idx.msk [tilespmem:v56+s2+$0x0], $0xffff  }
0xaf: {  	v56 =	vld [tilespmem:s21+$0x19770]  }
0xb0: {  	v8 =	vadd.s32 v57, v8;
	v57 =	vld [tilespmem:s21+$0x19B70]  }
0xb1: {  	v14 =	vld.idx.msk [tilespmem:v55+s2+$0x0], $0xffff  }
0xb2: {  	v22 =	vshll.u32 v9, $0x10;
	v9 =	vshra.s32 v9, $0x10;
	v37 =	vld.idx.msk [tilespmem:v63+s2+$0x0], $0xffff  }
0xb3: {  	v62 =	vshra.s32 v17, $0x10;
	v3 =	vadd.s32 v9, v26;
	v26 =	vld [tilespmem:s21+$0x1AB70]  }
0xb4: {  	v58 =	vshll.u32 v17, $0x10;
	v10 =	vadd.s32 v62, v10;
	v9 =	vshra.s32 v31, $0x10;
	v31 =	vld [tilespmem:s21+$0x18F80]  }
0xb5: {  	v61 =	vshra.s32 v58, $0x10;
	[tilespmem:s21+$0x1DB40] =	vst.add.s32.msk $0xffff, v10  }
0xb6: {  	v8 =	vadd.s32 v61, v8;
	v6 =	vld.idx.msk [tilespmem:v47+s2+$0x0], $0xffff  }
0xb7: {  	[tilespmem:s21+$0x1D740] =	vst.add.s32.msk $0xffff, v8  }
0xb8: {  	v5 =	vld.idx.msk [tilespmem:v46+s2+$0x0], $0xffff  }
0xb9: {  	v1 =	vshra.s32 v22, $0x10;
	v8 =	vld.idx.msk [tilespmem:v49+s2+$0x0], $0xffff  }
0xba: {  	v1 =	vadd.s32 v1, v25;
	v10 =	vld.idx.msk [tilespmem:v51+s2+$0x0], $0xffff  }
0xbb: {  	v3 =	vadd.s32 v30, v3;
	v1 =	vadd.s32 v29, v1;
	v29 =	vld [tilespmem:s21+$0x18B80]  }
0xbc: {  	v2 =	vadd.s32 v33, v3;
	v33 =	vld.idx.msk [tilespmem:v21+s2+$0x0], $0xffff  }
0xbd: {  	v21 =	vld [tilespmem:s21+$0x18B90]  }
0xbe: {  	v7 =	vld.idx.msk [tilespmem:v48+s2+$0x0], $0xffff  }
0xbf: {  	v34 =	vshll.u32 v15, $0x10;
	v1 =	vadd.s32 v9, v1;
	v9 =	vld.idx.msk [tilespmem:v50+s2+$0x0], $0xffff  }
0xc0: {  	v3 =	vshra.s32 v34, $0x10;
	v48 =	vld [tilespmem:s21+$0x19B80]  }
0xc1: {  	v36 =	vshll.u32 v28, $0x10;
	v50 =	vld [tilespmem:s21+$0x19F80];
	v1 =	vadd.s32 v3, v1;
	v3 =	vshra.s32 v15, $0x10  }
0xc2: {  	v38 =	vshra.s32 v28, $0x10;
	v12 =	vld.idx.msk [tilespmem:v53+s2+$0x0], $0xffff;
	v2 =	vadd.s32 v3, v2;
	v3 =	vshra.s32 v36, $0x10  }
0xc3: {  	v41 =	vshll.u32 v35, $0x10;
	v13 =	vld.idx.msk [tilespmem:v54+s2+$0x0], $0xffff;
	v1 =	vadd.s32 v3, v1;
	v3 =	vshll.u32 v32, $0x10  }
0xc4: {  	v40 =	vshra.s32 v32, $0x10;
	v54 =	vld [tilespmem:s21+$0x1A380];
	v42 =	vshll.u32 v37, $0x10;
	v3 =	vshra.s32 v3, $0x10  }
0xc5: {  	v11 =	vld.idx.msk [tilespmem:v52+s2+$0x0], $0xffff;
	v2 =	vadd.s32 v38, v2;
	v1 =	vadd.s32 v3, v1;
	v3 =	vshra.s32 v41, $0x10  }
0xc6: {  	v24 =	vld.idx.msk [tilespmem:v60+s2+$0x0], $0xffff;
	v2 =	vadd.s32 v40, v2;
	v1 =	vadd.s32 v3, v1;
	v3 =	vshra.s32 v35, $0x10  }
0xc7: {  	v44 =	vshll.u32 v39, $0x10;
	v15 =	vld.idx.msk [tilespmem:v56+s2+$0x0], $0xffff;
	v2 =	vadd.s32 v3, v2;
	v3 =	vshra.s32 v42, $0x10  }
0xc8: {  	v4 =	vshra.s32 v44, $0x10;
	v63 =	vld.idx.msk [tilespmem:v57+s2+$0x0], $0xffff;
	v1 =	vadd.s32 v3, v1  }
0xc9: {  	v32 =	vld [tilespmem:s21+$0x19380];
	v3 =	vshra.s32 v37, $0x10;
	v1 =	vadd.s32 v4, v1  }
0xca: {  	v2 =	vadd.s32 v3, v2;
	v3 =	vshra.s32 v39, $0x10;
	[tilespmem:s21+$0x1D750] =	vst.add.s32.msk $0xffff, v1  }
0xcb: {  	v2 =	vadd.s32 v3, v2;
	v1 =	vld [tilespmem:s21+$0x18B60]  }
0xcc: {  	[tilespmem:s21+$0x1DB50] =	vst.add.s32.msk $0xffff, v2  }
0xcd: {  	v2 =	vld [tilespmem:s21+$0x18F60]  }
0xce: {  	v20 =	vshll.u32 v6, $0x10;
	v22 =	vshra.s32 v6, $0x10;
	v6 =	vld.idx.msk [tilespmem:v23+s2+$0x0], $0xffff  }
0xcf: {  	v56 =	vld [tilespmem:s21+$0x1A780]  }
0xd0: {  	v35 =	vld [tilespmem:s21+$0x19780]  }
0xd1: {  	v62 =	vshll.u32 v5, $0x10;
	v25 =	vshll.u32 v8, $0x10;
	v44 =	vld.idx.msk [tilespmem:v31+s2+$0x0], $0xffff  }
0xd2: {  	v30 =	vshll.u32 v10, $0x10;
	v40 =	vshll.u32 v14, $0x10;
	v53 =	vshll.u32 v33, $0x10;
	v41 =	vld.idx.msk [tilespmem:v29+s2+$0x0], $0xffff  }
0xd3: {  	v57 =	vshra.s32 v33, $0x10;
	v28 =	vshll.u32 v9, $0x10;
	v34 =	vshll.u32 v12, $0x10;
	v3 =	vld.idx.msk [tilespmem:v43+s2+$0x0], $0xffff  }
0xd4: {  	v36 =	vshra.s32 v12, $0x10;
	v42 =	vshra.s32 v14, $0x10;
	v51 =	vshll.u32 v24, $0x10;
	v1 =	vld.idx.msk [tilespmem:v1+s2+$0x0], $0xffff  }
0xd5: {  	v37 =	vshll.u32 v13, $0x10;
	v46 =	vshra.s32 v15, $0x10;
	v47 =	vshll.u32 v63, $0x10;
	v2 =	vld.idx.msk [tilespmem:v2+s2+$0x0], $0xffff  }
0xd6: {  	v23 =	vld.idx.msk [tilespmem:v48+s2+$0x0], $0xffff;
	v38 =	vshra.s32 v37, $0x10;
	v39 =	vshra.s32 v13, $0x10;
	v43 =	vshll.u32 v15, $0x10  }
0xd7: {  	v4 =	vld.idx.msk [tilespmem:v45+s2+$0x0], $0xffff;
	v49 =	vshra.s32 v47, $0x10;
	v29 =	vshra.s32 v44, $0x10;
	v45 =	vshra.s32 v43, $0x10  }
0xd8: {  	v12 =	vshra.s32 v41, $0x10;
	v52 =	vld.idx.msk [tilespmem:v35+s2+$0x0], $0xffff;
	v58 =	vshll.u32 v3, $0x10;
	v3 =	vshra.s32 v3, $0x10  }
0xd9: {  	v48 =	vld [tilespmem:s21+$0x1A390];
	v17 =	vshra.s32 v58, $0x10;
	v58 =	vshll.u32 v6, $0x10;
	v59 =	vshll.u32 v1, $0x10  }
0xda: {  	v13 =	vld.idx.msk [tilespmem:v50+s2+$0x0], $0xffff;
	v1 =	vshra.s32 v1, $0x10;
	v18 =	vshra.s32 v59, $0x10;
	v61 =	vshll.u32 v2, $0x10  }
0xdb: {  	v16 =	vld.idx.msk [tilespmem:v54+s2+$0x0], $0xffff;
	v1 =	vadd.s32 v3, v1;
	v2 =	vshra.s32 v2, $0x10;
	v17 =	vadd.s32 v17, v18  }
0xdc: {  	v43 =	vld [tilespmem:s21+$0x19B90];
	v3 =	vshra.s32 v61, $0x10;
	v1 =	vadd.s32 v2, v1;
	v2 =	vshll.u32 v4, $0x10  }
0xdd: {  	v35 =	vshra.s32 v52, $0x10;
	v18 =	vld.idx.msk [tilespmem:v26+s2+$0x0], $0xffff;
	v3 =	vadd.s32 v3, v17;
	v2 =	vshra.s32 v2, $0x10  }
0xde: {  	v59 =	vld [tilespmem:s21+$0x1AB80];
	v4 =	vshra.s32 v4, $0x10;
	v2 =	vadd.s32 v2, v3;
	v3 =	vshra.s32 v62, $0x10  }
0xdf: {  	v26 =	vld [tilespmem:s21+$0x18F90];
	v1 =	vadd.s32 v4, v1;
	v2 =	vadd.s32 v3, v2;
	v3 =	vshra.s32 v5, $0x10  }
0xe0: {  	v37 =	vld [tilespmem:s21+$0x19390];
	v4 =	vshra.s32 v63, $0x10;
	v1 =	vadd.s32 v3, v1;
	v3 =	vshra.s32 v20, $0x10  }
0xe1: {  	v62 =	vld [tilespmem:s21+$0x18790];
	v2 =	vadd.s32 v3, v2;
	v1 =	vadd.s32 v22, v1;
	v3 =	vshll.u32 v7, $0x10  }
0xe2: {  	v54 =	vld [tilespmem:s21+$0x1AB90];
	v7 =	vshra.s32 v7, $0x10;
	v61 =	vshll.u32 v18, $0x10;
	v3 =	vshra.s32 v3, $0x10  }
0xe3: {  	v1 =	vadd.s32 v7, v1;
	v7 =	vld.idx.msk [tilespmem:v27+s2+$0x0], $0xffff;
	v2 =	vadd.s32 v3, v2;
	v3 =	vshra.s32 v25, $0x10  }
0xe4: {  	v20 =	vshra.s32 v61, $0x10;
	v61 =	vld.idx.msk [tilespmem:v43+s2+$0x0], $0xffff;
	v2 =	vadd.s32 v3, v2;
	v3 =	vshra.s32 v8, $0x10  }
0xe5: {  	v63 =	vshra.s32 v6, $0x10;
	v43 =	vld [tilespmem:s21+$0x193B0];
	v1 =	vadd.s32 v3, v1;
	v3 =	vshra.s32 v28, $0x10  }
0xe6: {  	v5 =	vshra.s32 v24, $0x10;
	v31 =	vld.idx.msk [tilespmem:v59+s2+$0x0], $0xffff;
	v2 =	vadd.s32 v3, v2;
	v3 =	vshra.s32 v9, $0x10  }
0xe7: {  	v25 =	vshll.u32 v41, $0x10;
	v8 =	vshra.s32 v30, $0x10;
	v41 =	vld.idx.msk [tilespmem:v26+s2+$0x0], $0xffff;
	v1 =	vadd.s32 v3, v1  }
0xe8: {  	v9 =	vld.idx.msk [tilespmem:v32+s2+$0x0], $0xffff;
	v2 =	vadd.s32 v8, v2;
	v3 =	vshra.s32 v10, $0x10;
	v24 =	vshll.u32 v7, $0x10  }
0xe9: {  	v33 =	vld.idx.msk [tilespmem:v62+s2+$0x0], $0xffff;
	v7 =	vshra.s32 v7, $0x10;
	v1 =	vadd.s32 v3, v1;
	v3 =	vshll.u32 v11, $0x10  }
0xea: {  	v10 =	vshra.s32 v34, $0x10;
	v8 =	vld.idx.msk [tilespmem:v21+s2+$0x0], $0xffff;
	v7 =	vadd.s32 v7, v12;
	v3 =	vshra.s32 v3, $0x10  }
0xeb: {  	v11 =	vshra.s32 v11, $0x10;
	[tilespmem:s21+$0x1D760] =	vst.add.s32.msk $0xffff, v2;
	v7 =	vadd.s32 v29, v7;
	v3 =	vadd.s32 v3, v10  }
0xec: {  	[tilespmem:s21+$0x1DB60] =	vst.add.s32.msk $0xffff, v1;
	v10 =	vadd.s32 v11, v36;
	v11 =	vshra.s32 v40, $0x10;
	v36 =	vshll.u32 v23, $0x10  }
0xed: {  	v3 =	vadd.s32 v38, v3;
	v10 =	vadd.s32 v39, v10;
	v30 =	vshll.u32 v9, $0x10;
	v39 =	vld [tilespmem:s21+$0x19790]  }
0xee: {  	v9 =	vshra.s32 v9, $0x10;
	v38 =	vshra.s32 v36, $0x10;
	v36 =	vld [tilespmem:s21+$0x19FA0];
	v3 =	vadd.s32 v11, v3  }
0xef: {  	v6 =	vshra.s32 v23, $0x10;
	v7 =	vadd.s32 v9, v7;
	v3 =	vadd.s32 v45, v3;
	v45 =	vld [tilespmem:s21+$0x19F90]  }
0xf0: {  	v10 =	vadd.s32 v42, v10;
	v42 =	vshll.u32 v16, $0x10;
	v7 =	vadd.s32 v35, v7;
	v35 =	vld [tilespmem:s21+$0x193A0]  }
0xf1: {  	v27 =	vshll.u32 v44, $0x10;
	v10 =	vadd.s32 v46, v10;
	v44 =	vshra.s32 v42, $0x10;
	v42 =	vld [tilespmem:s21+$0x18FB0]  }
0xf2: {  	v40 =	vshll.u32 v13, $0x10;
	v4 =	vadd.s32 v4, v10;
	v10 =	vshra.s32 v51, $0x10;
	v51 =	vld [tilespmem:s21+$0x1A790]  }
0xf3: {  	v3 =	vadd.s32 v49, v3;
	v6 =	vadd.s32 v6, v7;
	v7 =	vshra.s32 v40, $0x10;
	v40 =	vld [tilespmem:s21+$0x187B0]  }
0xf4: {  	v3 =	vadd.s32 v10, v3;
	v10 =	vld.idx.msk [tilespmem:v56+s2+$0x0], $0xffff  }
0xf5: {  	v56 =	vld.idx.msk [tilespmem:v37+s2+$0x0], $0xffff  }
0xf6: {  	v4 =	vadd.s32 v5, v4;
	v5 =	vshra.s32 v24, $0x10;
	v24 =	vld.idx.msk [tilespmem:v54+s2+$0x0], $0xffff  }
0xf7: {  	v55 =	vshra.s32 v53, $0x10;
	v14 =	vshra.s32 v25, $0x10;
	v50 =	vshll.u32 v31, $0x10;
	v37 =	vld [tilespmem:s21+$0x1A3A0]  }
0xf8: {  	v13 =	vshra.s32 v13, $0x10;
	v3 =	vadd.s32 v55, v3;
	v55 =	vshra.s32 v31, $0x10;
	v31 =	vld [tilespmem:s21+$0x187A0]  }
0xf9: {  	v46 =	vshra.s32 v16, $0x10;
	v6 =	vadd.s32 v13, v6;
	v5 =	vadd.s32 v5, v14;
	v14 =	vld.idx.msk [tilespmem:v43+s2+$0x0], $0xffff  }
0xfa: {  	v60 =	vshra.s32 v58, $0x10;
	v6 =	vadd.s32 v46, v6;
	v46 =	vld [tilespmem:s21+$0x19FB0]  }
0xfb: {  	v9 =	vshra.s32 v41, $0x10;
	v3 =	vadd.s32 v60, v3;
	v60 =	vshll.u32 v41, $0x10;
	v41 =	vld [tilespmem:s21+$0x18BB0]  }
0xfc: {  	v3 =	vadd.s32 v20, v3;
	v20 =	vld.idx.msk [tilespmem:v48+s2+$0x0], $0xffff  }
0xfd: {  	v22 =	vshra.s32 v18, $0x10;
	v4 =	vadd.s32 v57, v4;
	v48 =	vld [tilespmem:s21+$0x1A7B0]  }
0xfe: {  	v28 =	vshra.s32 v27, $0x10;
	v32 =	vshll.u32 v52, $0x10;
	v4 =	vadd.s32 v63, v4;
	v11 =	vld.idx.msk [tilespmem:v39+s2+$0x0], $0xffff  }
0xff: {  	v12 =	vshra.s32 v30, $0x10;
	v5 =	vadd.s32 v28, v5;
	v4 =	vadd.s32 v22, v4;
	[tilespmem:s21+$0x1D770] =	vst.add.s32.msk $0xffff, v3  }
0x100: {  	v34 =	vshra.s32 v32, $0x10;
	v5 =	vadd.s32 v12, v5;
	[tilespmem:s21+$0x1DB70] =	vst.add.s32.msk $0xffff, v4  }
0x101: {  	v5 =	vadd.s32 v34, v5;
	v34 =	vld [tilespmem:s21+$0x18FA0]  }
0x102: {  	v39 =	vld [tilespmem:s21+$0x1ABA0]  }
0x103: {  	v5 =	vadd.s32 v38, v5;
	v38 =	vld [tilespmem:s21+$0x1A7A0]  }
0x104: {  	v63 =	vld.idx.msk [tilespmem:v45+s2+$0x0], $0xffff  }
0x105: {  	v13 =	vld.idx.msk [tilespmem:v42+s2+$0x0], $0xffff  }
0x106: {  	v47 =	vshll.u32 v10, $0x10;
	v45 =	vld [tilespmem:s21+$0x19BB0]  }
0x107: {  	v59 =	vshra.s32 v33, $0x10;
	v52 =	vshra.s32 v10, $0x10;
	v49 =	vshra.s32 v47, $0x10;
	v47 =	vld [tilespmem:s21+$0x1A3B0]  }
0x108: {  	v58 =	vshll.u32 v8, $0x10;
	v8 =	vshra.s32 v8, $0x10;
	v6 =	vadd.s32 v52, v6;
	v52 =	vld [tilespmem:s21+$0x187C0]  }
0x109: {  	v5 =	vadd.s32 v7, v5;
	v7 =	vadd.s32 v59, v8;
	v59 =	vld [tilespmem:s21+$0x18FC0]  }
0x10a: {  	v42 =	vld [tilespmem:s21+$0x187D0]  }
0x10b: {  	v22 =	vld.idx.msk [tilespmem:v51+s2+$0x0], $0xffff  }
0x10c: {  	v5 =	vadd.s32 v44, v5;
	v44 =	vld [tilespmem:s21+$0x197B0]  }
0x10d: {  	v57 =	vshll.u32 v33, $0x10;
	v51 =	vld [tilespmem:s21+$0x1ABB0]  }
0x10e: {  	v2 =	vshra.s32 v57, $0x10;
	v12 =	vshra.s32 v58, $0x10;
	v6 =	vadd.s32 v55, v6;
	v55 =	vld [tilespmem:s21+$0x18BC0]  }
0x10f: {  	v62 =	vshra.s32 v60, $0x10;
	v2 =	vadd.s32 v2, v12;
	v18 =	vshll.u32 v56, $0x10;
	[tilespmem:s21+$0x1DB80] =	vst.add.s32.msk $0xffff, v6  }
0x110: {  	v2 =	vadd.s32 v62, v2;
	v8 =	vshra.s32 v18, $0x10;
	v6 =	vld.idx.msk [tilespmem:v35+s2+$0x0], $0xffff  }
0x111: {  	v2 =	vadd.s32 v8, v2;
	v8 =	vld.idx.msk [tilespmem:v37+s2+$0x0], $0xffff  }
0x112: {  	v37 =	vld [tilespmem:s21+$0x1ABC0]  }
0x113: {  	v53 =	vshra.s32 v50, $0x10;
	v5 =	vadd.s32 v49, v5;
	v4 =	vld.idx.msk [tilespmem:v31+s2+$0x0], $0xffff  }
0x114: {  	v5 =	vadd.s32 v53, v5;
	v17 =	vld.idx.msk [tilespmem:v46+s2+$0x0], $0xffff  }
0x115: {  	v21 =	vshll.u32 v11, $0x10;
	[tilespmem:s21+$0x1D780] =	vst.add.s32.msk $0xffff, v5  }
0x116: {  	v23 =	vshra.s32 v21, $0x10;
	v12 =	vld.idx.msk [tilespmem:v41+s2+$0x0], $0xffff  }
0x117: {  	v1 =	vadd.s32 v23, v2;
	v2 =	vshra.s32 v11, $0x10;
	v11 =	vld.idx.msk [tilespmem:v40+s2+$0x0], $0xffff  }
0x118: {  	v10 =	vshra.s32 v56, $0x10;
	v7 =	vadd.s32 v9, v7;
	v19 =	vld.idx.msk [tilespmem:v48+s2+$0x0], $0xffff  }
0x119: {  	v7 =	vadd.s32 v10, v7;
	v5 =	vld.idx.msk [tilespmem:v34+s2+$0x0], $0xffff  }
0x11a: {  	v2 =	vadd.s32 v2, v7;
	v7 =	vld.idx.msk [tilespmem:v36+s2+$0x0], $0xffff  }
0x11b: {  	v25 =	vshll.u32 v61, $0x10;
	v30 =	vshra.s32 v61, $0x10;
	v10 =	vld.idx.msk [tilespmem:v39+s2+$0x0], $0xffff  }
0x11c: {  	v3 =	vshra.s32 v25, $0x10;
	v29 =	vshll.u32 v24, $0x10;
	v26 =	vshll.u32 v63, $0x10;
	v9 =	vld.idx.msk [tilespmem:v38+s2+$0x0], $0xffff  }
0x11d: {  	v27 =	vshll.u32 v20, $0x10;
	v1 =	vadd.s32 v3, v1;
	v3 =	vshra.s32 v26, $0x10;
	v16 =	vld.idx.msk [tilespmem:v45+s2+$0x0], $0xffff  }
0x11e: {  	v28 =	vshll.u32 v22, $0x10;
	v1 =	vadd.s32 v3, v1;
	v3 =	vshra.s32 v27, $0x10;
	v18 =	vld.idx.msk [tilespmem:v47+s2+$0x0], $0xffff  }
0x11f: {  	v32 =	vshra.s32 v63, $0x10;
	v1 =	vadd.s32 v3, v1;
	v3 =	vshra.s32 v28, $0x10;
	v28 =	vld [tilespmem:s21+$0x19BC0]  }
0x120: {  	v2 =	vadd.s32 v30, v2;
	v1 =	vadd.s32 v3, v1;
	v3 =	vshra.s32 v29, $0x10;
	v29 =	vld [tilespmem:s21+$0x19FC0]  }
0x121: {  	v33 =	vshra.s32 v20, $0x10;
	v2 =	vadd.s32 v32, v2;
	v1 =	vadd.s32 v3, v1;
	v3 =	vld [tilespmem:s21+$0x18BA0]  }
0x122: {  	[tilespmem:s21+$0x1D790] =	vst.add.s32.msk $0xffff, v1;
	v1 =	vadd.s32 v33, v2;
	v2 =	vshra.s32 v22, $0x10  }
0x123: {  	v1 =	vadd.s32 v2, v1;
	v2 =	vshra.s32 v24, $0x10;
	v24 =	vld [tilespmem:s21+$0x193C0]  }
0x124: {  	v34 =	vshll.u32 v13, $0x10;
	v36 =	vshra.s32 v13, $0x10;
	v1 =	vadd.s32 v2, v1;
	v2 =	vld [tilespmem:s21+$0x197A0]  }
0x125: {  	v39 =	vshra.s32 v14, $0x10;
	v56 =	vshll.u32 v6, $0x10;
	v6 =	vshra.s32 v6, $0x10;
	[tilespmem:s21+$0x1DB90] =	vst.add.s32.msk $0xffff, v1  }
0x126: {  	v63 =	vshll.u32 v8, $0x10;
	v35 =	vshra.s32 v34, $0x10;
	v49 =	vshll.u32 v4, $0x10;
	v1 =	vld [tilespmem:s21+$0x19BA0]  }
0x127: {  	v38 =	vshll.u32 v14, $0x10;
	v4 =	vshra.s32 v4, $0x10;
	v15 =	vld.idx.msk [tilespmem:v44+s2+$0x0], $0xffff;
	v20 =	vshra.s32 v49, $0x10  }
0x128: {  	v30 =	vshll.u32 v12, $0x10;
	v49 =	vshll.u32 v17, $0x10;
	v53 =	vshll.u32 v5, $0x10;
	v45 =	vld.idx.msk [tilespmem:v29+s2+$0x0], $0xffff  }
0x129: {  	v5 =	vshra.s32 v5, $0x10;
	v62 =	vshra.s32 v7, $0x10;
	v27 =	vshll.u32 v10, $0x10;
	v3 =	vld.idx.msk [tilespmem:v3+s2+$0x0], $0xffff  }
0x12a: {  	v61 =	vld.idx.msk [tilespmem:v51+s2+$0x0], $0xffff;
	v33 =	vshra.s32 v12, $0x10;
	v54 =	vshra.s32 v53, $0x10;
	v25 =	vshll.u32 v9, $0x10  }
0x12b: {  	v44 =	vshll.u32 v16, $0x10;
	v48 =	vshra.s32 v16, $0x10;
	v51 =	vshll.u32 v18, $0x10;
	v22 =	vld.idx.msk [tilespmem:v24+s2+$0x0], $0xffff  }
0x12c: {  	v40 =	vshll.u32 v15, $0x10;
	v43 =	vshra.s32 v15, $0x10;
	v47 =	vshra.s32 v44, $0x10;
	v2 =	vld.idx.msk [tilespmem:v2+s2+$0x0], $0xffff  }
0x12d: {  	v31 =	vld [tilespmem:s21+$0x1A3C0];
	v53 =	vshra.s32 v51, $0x10;
	v41 =	vshra.s32 v40, $0x10;
	v40 =	vshll.u32 v45, $0x10  }
0x12e: {  	v1 =	vld.idx.msk [tilespmem:v1+s2+$0x0], $0xffff;
	v15 =	vshra.s32 v45, $0x10;
	v50 =	vshll.u32 v3, $0x10;
	v3 =	vshra.s32 v3, $0x10  }
0x12f: {  	v26 =	vld [tilespmem:s21+$0x197C0];
	v21 =	vshra.s32 v50, $0x10;
	v3 =	vadd.s32 v4, v3;
	v50 =	vshra.s32 v17, $0x10  }
0x130: {  	v32 =	vld [tilespmem:s21+$0x1A7C0];
	v20 =	vadd.s32 v20, v21;
	v3 =	vadd.s32 v5, v3;
	v5 =	vshra.s32 v56, $0x10  }
0x131: {  	v21 =	vld.idx.msk [tilespmem:v28+s2+$0x0], $0xffff;
	v28 =	vshll.u32 v22, $0x10;
	v4 =	vadd.s32 v54, v20;
	v57 =	vshll.u32 v2, $0x10  }
0x132: {  	v13 =	vld.idx.msk [tilespmem:v37+s2+$0x0], $0xffff;
	v3 =	vadd.s32 v6, v3;
	v2 =	vshra.s32 v2, $0x10;
	v54 =	vshra.s32 v18, $0x10  }
0x133: {  	v12 =	vld.idx.msk [tilespmem:v42+s2+$0x0], $0xffff;
	v4 =	vadd.s32 v5, v4;
	v58 =	vshra.s32 v57, $0x10;
	v60 =	vshll.u32 v1, $0x10  }
0x134: {  	v20 =	vld.idx.msk [tilespmem:v52+s2+$0x0], $0xffff;
	v2 =	vadd.s32 v2, v3;
	v1 =	vshra.s32 v1, $0x10;
	v4 =	vadd.s32 v58, v4  }
0x135: {  	v6 =	vld.idx.msk [tilespmem:v59+s2+$0x0], $0xffff;
	v3 =	vshra.s32 v60, $0x10;
	v1 =	vadd.s32 v1, v2;
	v2 =	vshll.u32 v7, $0x10  }
0x136: {  	v7 =	vld.idx.msk [tilespmem:v55+s2+$0x0], $0xffff;
	v55 =	vshll.u32 v19, $0x10;
	v58 =	vshll.u32 v61, $0x10;
	v60 =	vshra.s32 v19, $0x10  }
0x137: {  	v56 =	vld [tilespmem:s21+$0x18FD0];
	v3 =	vadd.s32 v3, v4;
	v2 =	vshra.s32 v2, $0x10;
	v1 =	vadd.s32 v62, v1  }
0x138: {  	v51 =	vld [tilespmem:s21+$0x18BE0];
	v4 =	vshra.s32 v27, $0x10;
	v57 =	vshra.s32 v55, $0x10;
	v14 =	vshra.s32 v58, $0x10  }
0x139: {  	v24 =	vld [tilespmem:s21+$0x19BD0];
	v2 =	vadd.s32 v2, v3;
	v3 =	vshra.s32 v63, $0x10;
	v34 =	vshll.u32 v21, $0x10  }
0x13a: {  	v59 =	vld [tilespmem:s21+$0x193D0];
	v2 =	vadd.s32 v3, v2;
	v3 =	vshra.s32 v8, $0x10;
	v62 =	vshll.u32 v20, $0x10  }
0x13b: {  	v8 =	vld.idx.msk [tilespmem:v26+s2+$0x0], $0xffff;
	v20 =	vshra.s32 v20, $0x10;
	v26 =	vshll.u32 v6, $0x10;
	v6 =	vshra.s32 v6, $0x10  }
0x13c: {  	v52 =	vld [tilespmem:s21+$0x18BD0];
	v37 =	vshra.s32 v34, $0x10;
	v1 =	vadd.s32 v3, v1;
	v3 =	vshra.s32 v25, $0x10  }
0x13d: {  	v27 =	vld [tilespmem:s21+$0x1A3D0];
	v2 =	vadd.s32 v3, v2;
	v3 =	vshra.s32 v9, $0x10;
	v9 =	vshra.s32 v30, $0x10  }
0x13e: {  	v55 =	vld [tilespmem:s21+$0x18FE0];
	v63 =	vshll.u32 v7, $0x10;
	v7 =	vshra.s32 v7, $0x10;
	v30 =	vshra.s32 v22, $0x10  }
0x13f: {  	v29 =	vld.idx.msk [tilespmem:v56+s2+$0x0], $0xffff;
	v56 =	vshll.u32 v12, $0x10;
	v12 =	vshra.s32 v12, $0x10;
	v1 =	vadd.s32 v3, v1  }
0x140: {  	v58 =	vld [tilespmem:s21+$0x193E0];
	v2 =	vadd.s32 v4, v2;
	v3 =	vshra.s32 v10, $0x10;
	v7 =	vadd.s32 v20, v7  }
0x141: {  	v25 =	vld [tilespmem:s21+$0x19FD0];
	v1 =	vadd.s32 v3, v1;
	v3 =	vshll.u32 v11, $0x10;
	v11 =	vshra.s32 v11, $0x10  }
0x142: {  	v10 =	vld.idx.msk [tilespmem:v31+s2+$0x0], $0xffff;
	v6 =	vadd.s32 v6, v7;
	v7 =	vshra.s32 v28, $0x10;
	v3 =	vshra.s32 v3, $0x10  }
0x143: {  	v18 =	vld.idx.msk [tilespmem:v59+s2+$0x0], $0xffff;
	v31 =	vshll.u32 v8, $0x10;
	v6 =	vadd.s32 v30, v6;
	v8 =	vshra.s32 v8, $0x10  }
0x144: {  	v17 =	vld.idx.msk [tilespmem:v52+s2+$0x0], $0xffff;
	v3 =	vadd.s32 v3, v9;
	v9 =	vadd.s32 v11, v33;
	v11 =	vshra.s32 v38, $0x10  }
0x145: {  	v59 =	vld [tilespmem:s21+$0x197E0];
	v38 =	vshra.s32 v21, $0x10;
	v3 =	vadd.s32 v35, v3;
	v9 =	vadd.s32 v36, v9  }
0x146: {  	v45 =	vld.idx.msk [tilespmem:v27+s2+$0x0], $0xffff;
	v36 =	vadd.s32 v8, v6;
	v3 =	vadd.s32 v11, v3;
	v9 =	vadd.s32 v39, v9  }
0x147: {  	v11 =	vld.idx.msk [tilespmem:v32+s2+$0x0], $0xffff;
	v32 =	vshra.s32 v31, $0x10;
	v5 =	vadd.s32 v38, v36;
	v42 =	vshll.u32 v10, $0x10  }
0x148: {  	v39 =	vld.idx.msk [tilespmem:v24+s2+$0x0], $0xffff;
	v24 =	vshll.u32 v18, $0x10;
	v18 =	vshra.s32 v18, $0x10;
	v3 =	vadd.s32 v41, v3  }
0x149: {  	v28 =	vld [tilespmem:s21+$0x19FE0];
	v46 =	vadd.s32 v43, v9;
	v9 =	vshra.s32 v49, $0x10;
	v5 =	vadd.s32 v15, v5  }
0x14a: {  	v20 =	vld.idx.msk [tilespmem:v51+s2+$0x0], $0xffff;
	v44 =	vshra.s32 v42, $0x10;
	v3 =	vadd.s32 v47, v3;
	v4 =	vadd.s32 v48, v46  }
0x14b: {  	v51 =	vld [tilespmem:s21+$0x18BF0];
	v46 =	vshra.s32 v10, $0x10;
	v3 =	vadd.s32 v9, v3;
	v4 =	vadd.s32 v50, v4  }
0x14c: {  	v33 =	vld [tilespmem:s21+$0x1A7D0];
	v5 =	vadd.s32 v46, v5;
	v50 =	vshll.u32 v13, $0x10;
	v34 =	vshll.u32 v45, $0x10  }
0x14d: {  	v16 =	vld.idx.msk [tilespmem:v58+s2+$0x0], $0xffff;
	v38 =	vshra.s32 v45, $0x10;
	v3 =	vadd.s32 v53, v3;
	v4 =	vadd.s32 v54, v4  }
0x14e: {  	v41 =	vld.idx.msk [tilespmem:v25+s2+$0x0], $0xffff;
	v10 =	vshra.s32 v50, $0x10;
	v54 =	vshra.s32 v13, $0x10;
	v36 =	vshra.s32 v34, $0x10  }
0x14f: {  	v43 =	vld [tilespmem:s21+$0x1ABD0];
	v50 =	vshll.u32 v20, $0x10;
	v3 =	vadd.s32 v57, v3;
	v9 =	vadd.s32 v60, v4  }
0x150: {  	v48 =	vld [tilespmem:s21+$0x187E0];
	v47 =	vshll.u32 v11, $0x10;
	v52 =	vshra.s32 v11, $0x10;
	v57 =	vshll.u32 v17, $0x10  }
0x151: {  	v46 =	vld.idx.msk [tilespmem:v28+s2+$0x0], $0xffff;
	v60 =	vshra.s32 v17, $0x10;
	v30 =	vshll.u32 v39, $0x10;
	v4 =	vadd.s32 v14, v3  }
0x152: {  	v34 =	vld [tilespmem:s21+$0x1A3F0];
	v3 =	vshra.s32 v61, $0x10;
	v14 =	vshra.s32 v63, $0x10;
	v49 =	vshra.s32 v47, $0x10  }
0x153: {  	v61 =	vld [tilespmem:s21+$0x197D0];
	v5 =	vadd.s32 v52, v5;
	v13 =	vshra.s32 v57, $0x10;
	v12 =	vadd.s32 v12, v60  }
0x154: {  	v53 =	vld.idx.msk [tilespmem:v33+s2+$0x0], $0xffff;
	v31 =	vshra.s32 v30, $0x10;
	v8 =	vshra.s32 v41, $0x10;
	v57 =	vshll.u32 v16, $0x10  }
0x155: {  	v33 =	vld.idx.msk [tilespmem:v59+s2+$0x0], $0xffff;
	v16 =	vshra.s32 v16, $0x10;
	v3 =	vadd.s32 v3, v9;
	v9 =	vshra.s32 v62, $0x10  }
0x156: {  	v63 =	vld [tilespmem:s21+$0x19BE0];
	v5 =	vadd.s32 v54, v5;
	v9 =	vadd.s32 v9, v14;
	v14 =	vshra.s32 v26, $0x10  }
0x157: {  	v52 =	vld [tilespmem:s21+$0x18FF0];
	v9 =	vadd.s32 v14, v9;
	v14 =	vshra.s32 v29, $0x10;
	v15 =	vshra.s32 v46, $0x10  }
0x158: {  	v21 =	vld.idx.msk [tilespmem:v43+s2+$0x0], $0xffff;
	v7 =	vadd.s32 v7, v9;
	v12 =	vadd.s32 v14, v12;
	v9 =	vshra.s32 v39, $0x10  }
0x159: {  	v43 =	vld [tilespmem:s21+$0x1ABE0];
	v7 =	vadd.s32 v32, v7;
	v12 =	vadd.s32 v18, v12;
	v32 =	vshll.u32 v41, $0x10  }
0x15a: {  	v25 =	vld.idx.msk [tilespmem:v48+s2+$0x0], $0xffff;
	v39 =	vshll.u32 v53, $0x10;
	v18 =	vshra.s32 v50, $0x10;
	v58 =	vshll.u32 v33, $0x10  }
0x15b: {  	v48 =	vld [tilespmem:s21+$0x187F0];
	v6 =	vadd.s32 v37, v7;
	v7 =	vshra.s32 v40, $0x10;
	v41 =	vshra.s32 v39, $0x10  }
0x15c: {  	v40 =	vld [tilespmem:s21+$0x1A7E0];
	v59 =	vshra.s32 v58, $0x10;
	v6 =	vadd.s32 v7, v6;
	v7 =	vshra.s32 v56, $0x10  }
0x15d: {  	v35 =	vld.idx.msk [tilespmem:v61+s2+$0x0], $0xffff;
	v6 =	vadd.s32 v44, v6;
	v7 =	vadd.s32 v7, v13;
	v61 =	vshll.u32 v29, $0x10  }
0x15e: {  	v13 =	vshra.s32 v24, $0x10;
	v37 =	vld.idx.msk [tilespmem:v63+s2+$0x0], $0xffff;
	v42 =	vshll.u32 v21, $0x10;
	v44 =	vshra.s32 v53, $0x10  }
0x15f: {  	v47 =	vshra.s32 v21, $0x10;
	v53 =	vshra.s32 v20, $0x10;
	v63 =	vld.idx.msk [tilespmem:v51+s2+$0x0], $0xffff;
	v21 =	vshll.u32 v46, $0x10  }
0x160: {  	v24 =	vld.idx.msk [tilespmem:v52+s2+$0x0], $0xffff;
	v6 =	vadd.s32 v49, v6;
	v62 =	vshra.s32 v61, $0x10;
	v45 =	vshra.s32 v42, $0x10  }
0x161: {  	v52 =	vld.idx.msk [tilespmem:v34+s2+$0x0], $0xffff;
	v49 =	vshll.u32 v25, $0x10;
	v14 =	vshra.s32 v25, $0x10;
	v7 =	vadd.s32 v62, v7  }
0x162: {  	v6 =	vadd.s32 v10, v6;
	v10 =	vld.idx.msk [tilespmem:v55+s2+$0x0], $0xffff;
	v14 =	vadd.s32 v14, v53;
	v7 =	vadd.s32 v13, v7  }
0x163: {  	v13 =	vshra.s32 v33, $0x10;
	v26 =	vshll.u32 v35, $0x10;
	v29 =	vshra.s32 v35, $0x10  }
0x164: {  	v19 =	vld.idx.msk [tilespmem:v43+s2+$0x0], $0xffff;
	v61 =	vshll.u32 v37, $0x10;
	v43 =	vshra.s32 v63, $0x10;
	v27 =	vshra.s32 v26, $0x10  }
0x165: {  	v12 =	vadd.s32 v29, v12;
	v17 =	vld.idx.msk [tilespmem:v40+s2+$0x0], $0xffff;
	v62 =	vshra.s32 v61, $0x10;
	v40 =	vshll.u32 v63, $0x10  }
0x166: {  	v56 =	vld [tilespmem:s21+$0x193F0];
	v61 =	vshll.u32 v52, $0x10;
	v7 =	vadd.s32 v27, v7;
	v9 =	vadd.s32 v9, v12  }
0x167: {  	v11 =	vld.idx.msk [tilespmem:v48+s2+$0x0], $0xffff;
	v12 =	vshra.s32 v32, $0x10;
	v54 =	vshll.u32 v10, $0x10;
	v10 =	vshra.s32 v10, $0x10  }
0x168: {  	v42 =	vshra.s32 v40, $0x10;
	v7 =	vadd.s32 v31, v7;
	v8 =	vadd.s32 v8, v9  }
0x169: {  	v60 =	vld [tilespmem:s21+$0x197F0];
	v9 =	vshra.s32 v49, $0x10;
	v55 =	vshra.s32 v54, $0x10;
	v10 =	vadd.s32 v10, v14  }
0x16a: {  	v14 =	vshra.s32 v57, $0x10;
	v33 =	vshll.u32 v19, $0x10;
	v7 =	vadd.s32 v12, v7  }
0x16b: {  	[tilespmem:s21+$0x1D7A0] =	vst.add.s32.msk $0xffff, v2;
	v8 =	vadd.s32 v38, v8;
	v9 =	vadd.s32 v9, v18;
	v10 =	vadd.s32 v16, v10  }
0x16c: {  	v35 =	vld [tilespmem:s21+$0x1A3E0];
	v12 =	vshra.s32 v37, $0x10;
	v37 =	vshra.s32 v19, $0x10;
	v39 =	vshll.u32 v11, $0x10  }
0x16d: {  	v26 =	vld [tilespmem:s21+$0x19BF0];
	v11 =	vshra.s32 v11, $0x10;
	v7 =	vadd.s32 v36, v7;
	v8 =	vadd.s32 v44, v8  }
0x16e: {  	[tilespmem:s21+$0x1DBA0] =	vst.add.s32.msk $0xffff, v1;
	v9 =	vadd.s32 v55, v9;
	v10 =	vadd.s32 v13, v10;
	v36 =	vshra.s32 v33, $0x10  }
0x16f: {  	v28 =	vld.idx.msk [tilespmem:v56+s2+$0x0], $0xffff;
	v2 =	vshra.s32 v39, $0x10;
	v44 =	vshll.u32 v24, $0x10;
	v1 =	vadd.s32 v11, v43  }
0x170: {  	v31 =	vld [tilespmem:s21+$0x19FF0];
	v7 =	vadd.s32 v41, v7;
	v8 =	vadd.s32 v47, v8;
	v9 =	vadd.s32 v14, v9  }
0x171: {  	v16 =	vld.idx.msk [tilespmem:v60+s2+$0x0], $0xffff;
	v10 =	vadd.s32 v12, v10;
	v12 =	vshra.s32 v21, $0x10;
	v30 =	vshll.u32 v17, $0x10  }
0x172: {  	v38 =	vld [tilespmem:s21+$0x1A7F0];
	v2 =	vadd.s32 v2, v42;
	v46 =	vshra.s32 v44, $0x10;
	v47 =	vshra.s32 v24, $0x10  }
0x173: {  	v41 =	vld [tilespmem:s21+$0x1ABF0];
	v7 =	vadd.s32 v45, v7;
	v9 =	vadd.s32 v59, v9;
	v10 =	vadd.s32 v15, v10  }
0x174: {  	v32 =	vshra.s32 v30, $0x10;
	v2 =	vadd.s32 v46, v2;
	v1 =	vadd.s32 v47, v1;
	v22 =	vld.idx.msk [tilespmem:v35+s2+$0x0], $0xffff  }
0x175: {  	v48 =	vshll.u32 v28, $0x10;
	v50 =	vshra.s32 v28, $0x10;
	v9 =	vadd.s32 v62, v9;
	v45 =	vld.idx.msk [tilespmem:v26+s2+$0x0], $0xffff  }
0x176: {  	v35 =	vshra.s32 v17, $0x10;
	v11 =	vshra.s32 v48, $0x10;
	v1 =	vadd.s32 v50, v1  }
0x177: {  	v9 =	vadd.s32 v12, v9;
	v51 =	vshll.u32 v16, $0x10;
	v54 =	vshra.s32 v16, $0x10  }
0x178: {  	v2 =	vadd.s32 v11, v2;
	v53 =	vshra.s32 v51, $0x10;
	v1 =	vadd.s32 v54, v1;
	v49 =	vld.idx.msk [tilespmem:v31+s2+$0x0], $0xffff  }
0x179: {  	v2 =	vadd.s32 v53, v2;
	v25 =	vshll.u32 v22, $0x10;
	v29 =	vshra.s32 v22, $0x10  }
0x17a: {  	[tilespmem:s21+$0x1D7B0] =	vst.add.s32.msk $0xffff, v4;
	v27 =	vshra.s32 v25, $0x10;
	v10 =	vadd.s32 v29, v10;
	v55 =	vshll.u32 v45, $0x10  }
0x17b: {  	v56 =	vld.idx.msk [tilespmem:v38+s2+$0x0], $0xffff;
	v58 =	vshra.s32 v45, $0x10;
	v9 =	vadd.s32 v27, v9;
	v10 =	vadd.s32 v35, v10  }
0x17c: {  	v59 =	vld.idx.msk [tilespmem:v41+s2+$0x0], $0xffff;
	v57 =	vshra.s32 v55, $0x10;
	v1 =	vadd.s32 v58, v1;
	v9 =	vadd.s32 v32, v9  }
0x17d: {  	[tilespmem:s21+$0x1DBB0] =	vst.add.s32.msk $0xffff, v3;
	v10 =	vadd.s32 v37, v10;
	v2 =	vadd.s32 v57, v2;
	v3 =	vshll.u32 v49, $0x10  }
0x17e: {  	[tilespmem:s21+$0x1DBC0] =	vst.add.s32.msk $0xffff, v5;
	v60 =	vshra.s32 v49, $0x10;
	v9 =	vadd.s32 v36, v9;
	v3 =	vshra.s32 v3, $0x10  }
0x17f: {  	s19 =	sadd.s32 $0x10, s19;
	[tilespmem:s21+$0x1D7C0] =	vst.add.s32.msk $0xffff, v6;
	v1 =	vadd.s32 v60, v1;
	v2 =	vadd.s32 v3, v2;
	v3 =	vshra.s32 v61, $0x10  }
0x180: {  	p0 =	slt.u32 s19, $0x30;
	[tilespmem:s21+$0x1DBD0] =	vst.add.s32.msk $0xffff, v8;
	v62 =	vshll.u32 v56, $0x10;
	v2 =	vadd.s32 v3, v2;
	v3 =	vshra.s32 v52, $0x10  }
.Ltmp1:
0x181: {  	[tilespmem:s21+$0x1D7D0] =	vst.add.s32.msk $0xffff, v7;
	v63 =	vshll.u32 v59, $0x10;
	v1 =	vadd.s32 v3, v1;
	v3 =	vshra.s32 v62, $0x10;
	(pc) =	sbr.rel @p0 .LBB2_5-.Ltmp1, $4  }
0x182: {  	[tilespmem:s21+$0x1DBE0] =	vst.add.s32.msk $0xffff, v10;
	v4 =	vshra.s32 v63, $0x10;
	v2 =	vadd.s32 v3, v2;
	v3 =	vshra.s32 v56, $0x10  }
0x183: {  	[tilespmem:s21+$0x1D7E0] =	vst.add.s32.msk $0xffff, v9;
	v1 =	vadd.s32 v3, v1;
	v2 =	vadd.s32 v4, v2;
	v3 =	vshra.s32 v59, $0x10  }
0x184: {  	v1 =	vadd.s32 v3, v1;
	[tilespmem:s21+$0x1D7F0] =	vst.add.s32.msk $0xffff, v2  }
0x185: {  	s20 =	sadd.s32 $0x400, s20;
	[tilespmem:s21+$0x1DBF0] =	vst.add.s32.msk $0xffff, v1  }
0x186: {  	p0 =	seq.s32 s17, $0x9  }
0x187: {  	s18 =	sshrl.u32 @!p0 s18, $0x3  }
0x188: {  	s18 =	sadd.s32 @!p0 s3, s18  }
0x189: {  	s19 =	simm.s32 @!p0 $0x0;
	s20 =	simm.s32 @!p0 $0x18700;
	s18 =	sadd.s32 @!p0 $0xA00, s18  }
0x18a: {  	[tilespmem:s20], [sflag:$0x1] =	stream.linear.gather @!p0 [hbm4b:s18+s19], $0x2800, $0x38;
	[tilespmem:$0x1DF00] =	vst v63  }
0x18b: {  	_ =	swait.ge [sflag:s12], $0x2800  }
0x18c: {  	[sflag:s12] =	ssyncset.done $0x0  }
0x18d: {  	s18 =	simm.s32 $0xFFFFFFF0;
	s19 =	simm.s32 $0x0;
	[sflag:s12] =	ssyncadd.s32 $0xFFFFD800  }
.LBB2_7:
0x18e: {  	s20 =	sshra.s32 s19, $0x2  }
0x18f: {  	v1 =	vld [tilespmem:s20+$0x1AF00]  }
0x190: {  	v2 =	vld [tilespmem:s20+$0x1B300]  }
0x191: {  	v3 =	vld [tilespmem:s20+$0x1B700]  }
0x192: {  	v4 =	vld [tilespmem:s20+$0x1BB00]  }
0x193: {  	v5 =	vld [tilespmem:s20+$0x1BF00]  }
0x194: {  	v6 =	vld [tilespmem:s20+$0x1C300]  }
0x195: {  	v7 =	vld [tilespmem:s20+$0x1C700]  }
0x196: {  	v8 =	vld [tilespmem:s20+$0x1CB00]  }
0x197: {  	v9 =	vld [tilespmem:s20+$0x1CF00]  }
0x198: {  	v10 =	vld [tilespmem:s20+$0x1D300]  }
0x199: {  	v14 =	vld [tilespmem:s20+$0x1AF10]  }
0x19a: {  	v15 =	vld [tilespmem:s20+$0x1B310]  }
0x19b: {  	v16 =	vld [tilespmem:s20+$0x1B710]  }
0x19c: {  	v45 =	vld [tilespmem:s20+$0x1BB10]  }
0x19d: {  	v46 =	vld [tilespmem:s20+$0x1BF10]  }
0x19e: {  	v50 =	vld [tilespmem:s20+$0x1C310]  }
0x19f: {  	v17 =	vld [tilespmem:s20+$0x1C710]  }
0x1a0: {  	v18 =	vld [tilespmem:s20+$0x1CB10]  }
0x1a1: {  	v19 =	vld [tilespmem:s20+$0x1CF10]  }
0x1a2: {  	v20 =	vld [tilespmem:s20+$0x1D310]  }
0x1a3: {  	v21 =	vld [tilespmem:s20+$0x1AF20]  }
0x1a4: {  	v22 =	vld [tilespmem:s20+$0x1B320]  }
0x1a5: {  	v23 =	vld [tilespmem:s20+$0x1B720]  }
0x1a6: {  	v52 =	vld [tilespmem:s20+$0x1BF20]  }
0x1a7: {  	v53 =	vld [tilespmem:s20+$0x1C320]  }
0x1a8: {  	v55 =	vld [tilespmem:s20+$0x1C720]  }
0x1a9: {  	v57 =	vld [tilespmem:s20+$0x1CB20]  }
0x1aa: {  	v58 =	vld [tilespmem:s20+$0x1CF20]  }
0x1ab: {  	v24 =	vld [tilespmem:s20+$0x1D320]  }
0x1ac: {  	v29 =	vld [tilespmem:s20+$0x1AF30]  }
0x1ad: {  	v1 =	vld.idx.msk [tilespmem:v1+s2+$0x0], $0xffff  }
0x1ae: {  	v2 =	vld.idx.msk [tilespmem:v2+s2+$0x0], $0xffff  }
0x1af: {  	v3 =	vld.idx.msk [tilespmem:v3+s2+$0x0], $0xffff  }
0x1b0: {  	v4 =	vld.idx.msk [tilespmem:v4+s2+$0x0], $0xffff  }
0x1b1: {  	v5 =	vld.idx.msk [tilespmem:v5+s2+$0x0], $0xffff  }
0x1b2: {  	v6 =	vld.idx.msk [tilespmem:v6+s2+$0x0], $0xffff  }
0x1b3: {  	v7 =	vld.idx.msk [tilespmem:v7+s2+$0x0], $0xffff  }
0x1b4: {  	v8 =	vld.idx.msk [tilespmem:v8+s2+$0x0], $0xffff  }
0x1b5: {  	v9 =	vld.idx.msk [tilespmem:v9+s2+$0x0], $0xffff  }
0x1b6: {  	v10 =	vld.idx.msk [tilespmem:v10+s2+$0x0], $0xffff  }
0x1b7: {  	v47 =	vld.idx.msk [tilespmem:v14+s2+$0x0], $0xffff  }
0x1b8: {  	v48 =	vld.idx.msk [tilespmem:v15+s2+$0x0], $0xffff  }
0x1b9: {  	v49 =	vld.idx.msk [tilespmem:v16+s2+$0x0], $0xffff  }
0x1ba: {  	v16 =	vld.idx.msk [tilespmem:v50+s2+$0x0], $0xffff  }
0x1bb: {  	v17 =	vld.idx.msk [tilespmem:v17+s2+$0x0], $0xffff  }
0x1bc: {  	v18 =	vld.idx.msk [tilespmem:v18+s2+$0x0], $0xffff  }
0x1bd: {  	v19 =	vld.idx.msk [tilespmem:v19+s2+$0x0], $0xffff  }
0x1be: {  	v51 =	vld.idx.msk [tilespmem:v21+s2+$0x0], $0xffff;
	v11 =	vshll.u32 v1, $0x10;
	v12 =	vshll.u32 v2, $0x10;
	v13 =	vshll.u32 v3, $0x10  }
0x1bf: {  	v20 =	vld.idx.msk [tilespmem:v20+s2+$0x0], $0xffff;
	v31 =	vshll.u32 v4, $0x10;
	v33 =	vshll.u32 v5, $0x10;
	v35 =	vshll.u32 v6, $0x10  }
0x1c0: {  	v54 =	vld.idx.msk [tilespmem:v23+s2+$0x0], $0xffff;
	v37 =	vshll.u32 v7, $0x10;
	v39 =	vshll.u32 v8, $0x10;
	v41 =	vshll.u32 v9, $0x10  }
0x1c1: {  	v14 =	vld.idx.msk [tilespmem:v24+s2+$0x0], $0xffff;
	v43 =	vshll.u32 v10, $0x10;
	v1 =	vshra.s32 v1, $0x10;
	v2 =	vshra.s32 v2, $0x10  }
0x1c2: {  	v50 =	vld [tilespmem:s20+$0x1C330];
	v56 =	vshll.u32 v48, $0x10;
	v59 =	vshra.s32 v48, $0x10;
	v60 =	vshll.u32 v49, $0x10  }
0x1c3: {  	v63 =	vshra.s32 v49, $0x10;
	v48 =	vshll.u32 v51, $0x10;
	v30 =	vshra.s32 v13, $0x10;
	v13 =	vld.idx.msk [tilespmem:v45+s2+$0x0], $0xffff  }
0x1c4: {  	v11 =	vshra.s32 v11, $0x10;
	v1 =	vadd.s32 v1, v2;
	v2 =	vshra.s32 v3, $0x10;
	v3 =	vld [tilespmem:s20+$0x1BB20]  }
0x1c5: {  	v12 =	vshra.s32 v12, $0x10;
	v32 =	vshra.s32 v31, $0x10;
	v34 =	vshra.s32 v33, $0x10;
	v45 =	vld [tilespmem:s20+$0x1BB30]  }
0x1c6: {  	v36 =	vshra.s32 v35, $0x10;
	v38 =	vshra.s32 v37, $0x10;
	v62 =	vshra.s32 v60, $0x10;
	v60 =	vld [tilespmem:s20+$0x1CF30]  }
0x1c7: {  	v1 =	vadd.s32 v2, v1;
	v2 =	vshra.s32 v4, $0x10;
	v4 =	vshra.s32 v51, $0x10;
	v51 =	vld [tilespmem:s20+$0x1C730]  }
0x1c8: {  	v11 =	vadd.s32 v11, v12;
	v1 =	vadd.s32 v2, v1;
	v2 =	vshra.s32 v5, $0x10;
	v5 =	vld.idx.msk [tilespmem:v22+s2+$0x0], $0xffff  }
0x1c9: {  	v11 =	vadd.s32 v30, v11;
	v1 =	vadd.s32 v2, v1;
	v2 =	vshra.s32 v6, $0x10;
	v6 =	vld.idx.msk [tilespmem:v52+s2+$0x0], $0xffff  }
0x1ca: {  	v11 =	vadd.s32 v32, v11;
	v1 =	vadd.s32 v2, v1;
	v2 =	vshra.s32 v7, $0x10;
	v7 =	vld.idx.msk [tilespmem:v53+s2+$0x0], $0xffff  }
0x1cb: {  	v40 =	vshra.s32 v39, $0x10;
	v52 =	vshll.u32 v54, $0x10;
	v11 =	vadd.s32 v34, v11;
	v34 =	vld.idx.msk [tilespmem:v57+s2+$0x0], $0xffff  }
0x1cc: {  	v1 =	vadd.s32 v2, v1;
	v2 =	vshra.s32 v8, $0x10;
	v8 =	vshra.s32 v54, $0x10;
	v54 =	vld [tilespmem:s20+$0x1CB30]  }
0x1cd: {  	v11 =	vadd.s32 v36, v11;
	v1 =	vadd.s32 v2, v1;
	v2 =	vshra.s32 v9, $0x10;
	v9 =	vld.idx.msk [tilespmem:v55+s2+$0x0], $0xffff  }
0x1ce: {  	v42 =	vshra.s32 v41, $0x10;
	v44 =	vshra.s32 v43, $0x10;
	v11 =	vadd.s32 v38, v11;
	v38 =	vld [tilespmem:s20+$0x1B330]  }
0x1cf: {  	v31 =	vshll.u32 v16, $0x10;
	v33 =	vshra.s32 v16, $0x10;
	v11 =	vadd.s32 v40, v11;
	v61 =	vld.idx.msk [tilespmem:v3+s2+$0x0], $0xffff  }
0x1d0: {  	v35 =	vshll.u32 v17, $0x10;
	v12 =	vshra.s32 v47, $0x10;
	v11 =	vadd.s32 v42, v11;
	v42 =	vld [tilespmem:s20+$0x1B730]  }
0x1d1: {  	v1 =	vadd.s32 v2, v1;
	v2 =	vshra.s32 v10, $0x10;
	v3 =	vadd.s32 v12, v59;
	v12 =	vld.idx.msk [tilespmem:v29+s2+$0x0], $0xffff  }
0x1d2: {  	v37 =	vshll.u32 v18, $0x10;
	v1 =	vadd.s32 v2, v1;
	v2 =	vshll.u32 v47, $0x10;
	v47 =	vld [tilespmem:s20+$0x1BF30]  }
0x1d3: {  	v41 =	vshll.u32 v19, $0x10;
	v39 =	vshra.s32 v37, $0x10;
	v40 =	vshra.s32 v18, $0x10;
	v18 =	vld.idx.msk [tilespmem:v45+s2+$0x0], $0xffff  }
0x1d4: {  	v43 =	vshra.s32 v41, $0x10;
	v11 =	vadd.s32 v44, v11;
	v3 =	vadd.s32 v63, v3;
	v63 =	vld.idx.msk [tilespmem:v50+s2+$0x0], $0xffff  }
0x1d5: {  	v32 =	vshra.s32 v31, $0x10;
	v25 =	vshll.u32 v13, $0x10;
	v10 =	vshra.s32 v56, $0x10;
	[tilespmem:s20+$0x1D700] =	vst.add.s32.msk $0xffff, v11  }
0x1d6: {  	v49 =	vshll.u32 v5, $0x10;
	v5 =	vshra.s32 v5, $0x10;
	v2 =	vshra.s32 v2, $0x10;
	v11 =	vld.idx.msk [tilespmem:v46+s2+$0x0], $0xffff  }
0x1d7: {  	v44 =	vshll.u32 v20, $0x10;
	v2 =	vadd.s32 v2, v10;
	v10 =	vshra.s32 v25, $0x10;
	v25 =	vld.idx.msk [tilespmem:v51+s2+$0x0], $0xffff  }
0x1d8: {  	v26 =	vshra.s32 v13, $0x10;
	v4 =	vadd.s32 v4, v5;
	v15 =	vshra.s32 v44, $0x10;
	v44 =	vld [tilespmem:s20+$0x1BF40]  }
0x1d9: {  	v36 =	vshra.s32 v17, $0x10;
	v4 =	vadd.s32 v8, v4;
	v2 =	vadd.s32 v62, v2;
	[tilespmem:s20+$0x1DB00] =	vst.add.s32.msk $0xffff, v1  }
0x1da: {  	v3 =	vadd.s32 v26, v3;
	v2 =	vadd.s32 v10, v2;
	v10 =	vshra.s32 v35, $0x10;
	v35 =	vld [tilespmem:s20+$0x1B340]  }
0x1db: {  	v26 =	vshll.u32 v34, $0x10;
	v24 =	vshll.u32 v9, $0x10;
	v9 =	vshra.s32 v9, $0x10;
	v29 =	vld.idx.msk [tilespmem:v54+s2+$0x0], $0xffff  }
0x1dc: {  	v55 =	vshll.u32 v61, $0x10;
	v57 =	vshra.s32 v61, $0x10;
	v61 =	vshll.u32 v7, $0x10;
	v17 =	vld.idx.msk [tilespmem:v38+s2+$0x0], $0xffff  }
0x1dd: {  	v7 =	vshra.s32 v7, $0x10;
	v4 =	vadd.s32 v57, v4;
	v62 =	vshra.s32 v61, $0x10;
	v38 =	vld.idx.msk [tilespmem:v60+s2+$0x0], $0xffff  }
0x1de: {  	v27 =	vshll.u32 v11, $0x10;
	v30 =	vshra.s32 v11, $0x10;
	v11 =	vld.idx.msk [tilespmem:v58+s2+$0x0], $0xffff;
	v58 =	vshll.u32 v6, $0x10  }
0x1df: {  	v61 =	vld [tilespmem:s20+$0x1CB40];
	v6 =	vshra.s32 v6, $0x10;
	v28 =	vshra.s32 v27, $0x10;
	v3 =	vadd.s32 v30, v3  }
0x1e0: {  	v56 =	vld.idx.msk [tilespmem:v42+s2+$0x0], $0xffff;
	v59 =	vshra.s32 v58, $0x10;
	v4 =	vadd.s32 v6, v4;
	v6 =	vshra.s32 v24, $0x10  }
0x1e1: {  	v27 =	vld [tilespmem:s20+$0x1D330];
	v30 =	vshra.s32 v34, $0x10;
	v58 =	vshll.u32 v25, $0x10;
	v2 =	vadd.s32 v28, v2  }
0x1e2: {  	v3 =	vadd.s32 v33, v3;
	v4 =	vadd.s32 v7, v4;
	v7 =	vshra.s32 v25, $0x10;
	v25 =	vld [tilespmem:s20+$0x1CF40]  }
0x1e3: {  	v28 =	vshra.s32 v26, $0x10;
	v2 =	vadd.s32 v32, v2;
	v3 =	vadd.s32 v36, v3;
	v32 =	vld [tilespmem:s20+$0x1AF40]  }
0x1e4: {  	v2 =	vadd.s32 v10, v2;
	v3 =	vadd.s32 v40, v3;
	v40 =	vld [tilespmem:s20+$0x1B740];
	v24 =	vshll.u32 v38, $0x10  }
0x1e5: {  	v4 =	vadd.s32 v9, v4;
	v2 =	vadd.s32 v39, v2;
	v26 =	vshra.s32 v24, $0x10;
	v24 =	vld [tilespmem:s20+$0x1D350]  }
0x1e6: {  	v4 =	vadd.s32 v30, v4;
	v36 =	vshra.s32 v11, $0x10;
	v2 =	vadd.s32 v43, v2;
	v43 =	vld [tilespmem:s20+$0x1BB40]  }
0x1e7: {  	v46 =	vshra.s32 v19, $0x10;
	v4 =	vadd.s32 v36, v4;
	v36 =	vld [tilespmem:s20+$0x1B750]  }
0x1e8: {  	v10 =	vadd.s32 v46, v3;
	v3 =	vadd.s32 v15, v2;
	v15 =	vld.idx.msk [tilespmem:v47+s2+$0x0], $0xffff  }
0x1e9: {  	v2 =	vshra.s32 v20, $0x10;
	v20 =	vld.idx.msk [tilespmem:v35+s2+$0x0], $0xffff  }
0x1ea: {  	v35 =	vld [tilespmem:s20+$0x1B350]  }
0x1eb: {  	v39 =	vshra.s32 v14, $0x10;
	v2 =	vadd.s32 v2, v10;
	v10 =	vshra.s32 v48, $0x10;
	v48 =	vld [tilespmem:s20+$0x1C340]  }
0x1ec: {  	v4 =	vadd.s32 v39, v4;
	[tilespmem:s20+$0x1D710] =	vst.add.s32.msk $0xffff, v3  }
0x1ed: {  	[tilespmem:s20+$0x1DB20] =	vst.add.s32.msk $0xffff, v4  }
0x1ee: {  	v19 =	vshra.s32 v49, $0x10;
	v21 =	vld.idx.msk [tilespmem:v27+s2+$0x0], $0xffff  }
0x1ef: {  	v10 =	vadd.s32 v10, v19;
	v19 =	vld.idx.msk [tilespmem:v61+s2+$0x0], $0xffff  }
0x1f0: {  	v53 =	vshra.s32 v52, $0x10;
	v41 =	vshll.u32 v12, $0x10;
	[tilespmem:s20+$0x1DB10] =	vst.add.s32.msk $0xffff, v2  }
0x1f1: {  	v12 =	vshra.s32 v12, $0x10;
	v49 =	vshll.u32 v18, $0x10;
	v5 =	vadd.s32 v53, v10;
	v53 =	vld [tilespmem:s20+$0x1C740]  }
0x1f2: {  	v18 =	vshra.s32 v18, $0x10;
	v8 =	vshra.s32 v55, $0x10;
	v34 =	vshll.u32 v14, $0x10;
	v16 =	vld.idx.msk [tilespmem:v25+s2+$0x0], $0xffff  }
0x1f3: {  	v55 =	vshll.u32 v63, $0x10;
	v37 =	vshra.s32 v34, $0x10;
	v60 =	vshll.u32 v29, $0x10;
	v50 =	vld.idx.msk [tilespmem:v32+s2+$0x0], $0xffff  }
0x1f4: {  	v23 =	vshra.s32 v29, $0x10;
	v42 =	vshll.u32 v17, $0x10;
	v45 =	vshra.s32 v17, $0x10;
	v32 =	vld [tilespmem:s20+$0x1AF50]  }
0x1f5: {  	v29 =	vshra.s32 v38, $0x10;
	v31 =	vshll.u32 v11, $0x10;
	v5 =	vadd.s32 v8, v5;
	v11 =	vld.idx.msk [tilespmem:v40+s2+$0x0], $0xffff  }
0x1f6: {  	v14 =	vshra.s32 v42, $0x10;
	v46 =	vshll.u32 v56, $0x10;
	v5 =	vadd.s32 v59, v5;
	v59 =	vld.idx.msk [tilespmem:v44+s2+$0x0], $0xffff  }
0x1f7: {  	v12 =	vadd.s32 v12, v45;
	v33 =	vshra.s32 v31, $0x10;
	v47 =	vshra.s32 v46, $0x10;
	v40 =	vld [tilespmem:s20+$0x1BB50]  }
0x1f8: {  	v10 =	vshra.s32 v56, $0x10;
	v56 =	vshra.s32 v55, $0x10;
	v51 =	vshll.u32 v15, $0x10;
	v44 =	vld [tilespmem:s20+$0x1BF50]  }
0x1f9: {  	v10 =	vadd.s32 v10, v12;
	v12 =	vshra.s32 v49, $0x10;
	v52 =	vshra.s32 v51, $0x10;
	v51 =	vld [tilespmem:s20+$0x1C350]  }
0x1fa: {  	v8 =	vshra.s32 v63, $0x10;
	v10 =	vadd.s32 v18, v10;
	v54 =	vshra.s32 v15, $0x10;
	v57 =	vld.idx.msk [tilespmem:v43+s2+$0x0], $0xffff  }
0x1fb: {  	v34 =	vshll.u32 v20, $0x10;
	v5 =	vadd.s32 v62, v5;
	v10 =	vadd.s32 v54, v10;
	v49 =	vld.idx.msk [tilespmem:v36+s2+$0x0], $0xffff  }
0x1fc: {  	v5 =	vadd.s32 v6, v5;
	v27 =	vshll.u32 v21, $0x10;
	v31 =	vshra.s32 v21, $0x10;
	v21 =	vld [tilespmem:s20+$0x1CB70]  }
0x1fd: {  	v6 =	vshra.s32 v41, $0x10;
	v8 =	vadd.s32 v8, v10;
	v5 =	vadd.s32 v28, v5;
	v28 =	vld [tilespmem:s20+$0x1D340]  }
0x1fe: {  	v18 =	vshra.s32 v34, $0x10;
	v6 =	vadd.s32 v6, v14;
	v7 =	vadd.s32 v7, v8;
	v63 =	vld.idx.msk [tilespmem:v48+s2+$0x0], $0xffff  }
0x1ff: {  	v5 =	vadd.s32 v33, v5;
	v6 =	vadd.s32 v47, v6;
	v7 =	vadd.s32 v23, v7;
	v47 =	vld.idx.msk [tilespmem:v35+s2+$0x0], $0xffff  }
0x200: {  	v6 =	vadd.s32 v12, v6;
	v42 =	vshll.u32 v59, $0x10;
	v12 =	vshra.s32 v59, $0x10;
	v59 =	vld [tilespmem:s20+$0x1CB50]  }
0x201: {  	v33 =	vshll.u32 v50, $0x10;
	v14 =	vshra.s32 v50, $0x10;
	v5 =	vadd.s32 v37, v5;
	v30 =	vld.idx.msk [tilespmem:v53+s2+$0x0], $0xffff  }
0x202: {  	v50 =	vshll.u32 v19, $0x10;
	v7 =	vadd.s32 v29, v7;
	v8 =	vshra.s32 v33, $0x10;
	[tilespmem:s20+$0x1D720] =	vst.add.s32.msk $0xffff, v5  }
0x203: {  	v38 =	vshll.u32 v11, $0x10;
	v6 =	vadd.s32 v52, v6;
	v52 =	vshra.s32 v50, $0x10;
	v50 =	vld [tilespmem:s20+$0x1CF60]  }
0x204: {  	v8 =	vadd.s32 v8, v18;
	v39 =	vshra.s32 v38, $0x10;
	v6 =	vadd.s32 v56, v6;
	v56 =	vld [tilespmem:s20+$0x1C750]  }
0x205: {  	v37 =	vshra.s32 v20, $0x10;
	v7 =	vadd.s32 v31, v7;
	v8 =	vadd.s32 v39, v8;
	v39 =	vld.idx.msk [tilespmem:v24+s2+$0x0], $0xffff  }
0x206: {  	v55 =	vshll.u32 v16, $0x10;
	v11 =	vshra.s32 v11, $0x10;
	v14 =	vadd.s32 v14, v37;
	[tilespmem:s20+$0x1DB30] =	vst.add.s32.msk $0xffff, v7  }
0x207: {  	v41 =	vshll.u32 v57, $0x10;
	v15 =	vshra.s32 v57, $0x10;
	v57 =	vshra.s32 v55, $0x10;
	v55 =	vld [tilespmem:s20+$0x1BB70]  }
0x208: {  	v10 =	vshra.s32 v58, $0x10;
	v9 =	vshra.s32 v27, $0x10;
	v11 =	vadd.s32 v11, v14;
	v53 =	vld.idx.msk [tilespmem:v40+s2+$0x0], $0xffff  }
0x209: {  	v43 =	vshra.s32 v42, $0x10;
	v27 =	vshll.u32 v49, $0x10;
	v11 =	vadd.s32 v15, v11;
	v15 =	vld.idx.msk [tilespmem:v44+s2+$0x0], $0xffff  }
0x20a: {  	v6 =	vadd.s32 v10, v6;
	v14 =	vshra.s32 v41, $0x10;
	v29 =	vshra.s32 v27, $0x10;
	v27 =	vld [tilespmem:s20+$0x1AF80]  }
0x20b: {  	v8 =	vadd.s32 v14, v8;
	v45 =	vshll.u32 v63, $0x10;
	v10 =	vshra.s32 v63, $0x10;
	v63 =	vld [tilespmem:s20+$0x1CF50]  }
0x20c: {  	v62 =	vshra.s32 v60, $0x10;
	v8 =	vadd.s32 v43, v8;
	v43 =	vld [tilespmem:s20+$0x1AF60]  }
0x20d: {  	v6 =	vadd.s32 v62, v6;
	v46 =	vshra.s32 v45, $0x10;
	v45 =	vld [tilespmem:s20+$0x1BB60]  }
0x20e: {  	v23 =	vshll.u32 v47, $0x10;
	v6 =	vadd.s32 v26, v6;
	v26 =	vshra.s32 v47, $0x10;
	v47 =	vld [tilespmem:s20+$0x1C360]  }
0x20f: {  	v25 =	vshra.s32 v23, $0x10;
	v23 =	vld [tilespmem:s20+$0x1CF70]  }
0x210: {  	v17 =	vld.idx.msk [tilespmem:v28+s2+$0x0], $0xffff  }
0x211: {  	v6 =	vadd.s32 v9, v6;
	v9 =	vld.idx.msk [tilespmem:v32+s2+$0x0], $0xffff  }
0x212: {  	v28 =	vld.idx.msk [tilespmem:v51+s2+$0x0], $0xffff  }
0x213: {  	v8 =	vadd.s32 v46, v8;
	v46 =	vld [tilespmem:s20+$0x1BF60]  }
0x214: {  	v48 =	vshll.u32 v30, $0x10;
	v13 =	vshra.s32 v30, $0x10;
	v30 =	vshra.s32 v49, $0x10;
	v49 =	vld [tilespmem:s20+$0x1CB60]  }
0x215: {  	v51 =	vld [tilespmem:s20+$0x1D360]  }
0x216: {  	v11 =	vadd.s32 v12, v11;
	[tilespmem:s20+$0x1D730] =	vst.add.s32.msk $0xffff, v6  }
0x217: {  	v10 =	vadd.s32 v10, v11;
	v11 =	vshra.s32 v48, $0x10;
	v48 =	vld [tilespmem:s20+$0x1C760]  }
0x218: {  	v54 =	vshra.s32 v19, $0x10;
	v35 =	vld.idx.msk [tilespmem:v59+s2+$0x0], $0xffff  }
0x219: {  	v10 =	vadd.s32 v13, v10;
	v31 =	vshll.u32 v53, $0x10;
	v33 =	vshra.s32 v53, $0x10;
	v53 =	vld [tilespmem:s20+$0x1B370]  }
0x21a: {  	v8 =	vadd.s32 v11, v8;
	v10 =	vadd.s32 v54, v10;
	v54 =	vld [tilespmem:s20+$0x1B770]  }
0x21b: {  	v60 =	vshra.s32 v16, $0x10;
	v8 =	vadd.s32 v52, v8;
	v52 =	vld [tilespmem:s20+$0x1AF70]  }
0x21c: {  	v10 =	vadd.s32 v60, v10;
	v60 =	vld [tilespmem:s20+$0x1C770]  }
0x21d: {  	v32 =	vld.idx.msk [tilespmem:v56+s2+$0x0], $0xffff  }
0x21e: {  	v56 =	vld [tilespmem:s20+$0x1BF70]  }
0x21f: {  	v8 =	vadd.s32 v57, v8;
	v57 =	vld [tilespmem:s20+$0x1C370]  }
0x220: {  	v14 =	vld.idx.msk [tilespmem:v55+s2+$0x0], $0xffff  }
0x221: {  	v22 =	vshll.u32 v9, $0x10;
	v9 =	vshra.s32 v9, $0x10;
	v37 =	vld.idx.msk [tilespmem:v63+s2+$0x0], $0xffff  }
0x222: {  	v62 =	vshra.s32 v17, $0x10;
	v3 =	vadd.s32 v9, v26;
	v26 =	vld [tilespmem:s20+$0x1D370]  }
0x223: {  	v58 =	vshll.u32 v17, $0x10;
	v10 =	vadd.s32 v62, v10;
	v9 =	vshra.s32 v31, $0x10;
	v31 =	vld [tilespmem:s20+$0x1B780]  }
0x224: {  	v61 =	vshra.s32 v58, $0x10;
	[tilespmem:s20+$0x1DB40] =	vst.add.s32.msk $0xffff, v10  }
0x225: {  	v8 =	vadd.s32 v61, v8;
	v6 =	vld.idx.msk [tilespmem:v47+s2+$0x0], $0xffff  }
0x226: {  	[tilespmem:s20+$0x1D740] =	vst.add.s32.msk $0xffff, v8  }
0x227: {  	v5 =	vld.idx.msk [tilespmem:v46+s2+$0x0], $0xffff  }
0x228: {  	v1 =	vshra.s32 v22, $0x10;
	v8 =	vld.idx.msk [tilespmem:v49+s2+$0x0], $0xffff  }
0x229: {  	v1 =	vadd.s32 v1, v25;
	v10 =	vld.idx.msk [tilespmem:v51+s2+$0x0], $0xffff  }
0x22a: {  	v3 =	vadd.s32 v30, v3;
	v1 =	vadd.s32 v29, v1;
	v29 =	vld [tilespmem:s20+$0x1B380]  }
0x22b: {  	v2 =	vadd.s32 v33, v3;
	v33 =	vld.idx.msk [tilespmem:v21+s2+$0x0], $0xffff  }
0x22c: {  	v21 =	vld [tilespmem:s20+$0x1B390]  }
0x22d: {  	v7 =	vld.idx.msk [tilespmem:v48+s2+$0x0], $0xffff  }
0x22e: {  	v34 =	vshll.u32 v15, $0x10;
	v1 =	vadd.s32 v9, v1;
	v9 =	vld.idx.msk [tilespmem:v50+s2+$0x0], $0xffff  }
0x22f: {  	v3 =	vshra.s32 v34, $0x10;
	v48 =	vld [tilespmem:s20+$0x1C380]  }
0x230: {  	v36 =	vshll.u32 v28, $0x10;
	v50 =	vld [tilespmem:s20+$0x1C780];
	v1 =	vadd.s32 v3, v1;
	v3 =	vshra.s32 v15, $0x10  }
0x231: {  	v38 =	vshra.s32 v28, $0x10;
	v12 =	vld.idx.msk [tilespmem:v53+s2+$0x0], $0xffff;
	v2 =	vadd.s32 v3, v2;
	v3 =	vshra.s32 v36, $0x10  }
0x232: {  	v41 =	vshll.u32 v35, $0x10;
	v13 =	vld.idx.msk [tilespmem:v54+s2+$0x0], $0xffff;
	v1 =	vadd.s32 v3, v1;
	v3 =	vshll.u32 v32, $0x10  }
0x233: {  	v40 =	vshra.s32 v32, $0x10;
	v54 =	vld [tilespmem:s20+$0x1CB80];
	v42 =	vshll.u32 v37, $0x10;
	v3 =	vshra.s32 v3, $0x10  }
0x234: {  	v11 =	vld.idx.msk [tilespmem:v52+s2+$0x0], $0xffff;
	v2 =	vadd.s32 v38, v2;
	v1 =	vadd.s32 v3, v1;
	v3 =	vshra.s32 v41, $0x10  }
0x235: {  	v24 =	vld.idx.msk [tilespmem:v60+s2+$0x0], $0xffff;
	v2 =	vadd.s32 v40, v2;
	v1 =	vadd.s32 v3, v1;
	v3 =	vshra.s32 v35, $0x10  }
0x236: {  	v44 =	vshll.u32 v39, $0x10;
	v15 =	vld.idx.msk [tilespmem:v56+s2+$0x0], $0xffff;
	v2 =	vadd.s32 v3, v2;
	v3 =	vshra.s32 v42, $0x10  }
0x237: {  	v4 =	vshra.s32 v44, $0x10;
	v63 =	vld.idx.msk [tilespmem:v57+s2+$0x0], $0xffff;
	v1 =	vadd.s32 v3, v1  }
0x238: {  	v32 =	vld [tilespmem:s20+$0x1BB80];
	v3 =	vshra.s32 v37, $0x10;
	v1 =	vadd.s32 v4, v1  }
0x239: {  	v2 =	vadd.s32 v3, v2;
	v3 =	vshra.s32 v39, $0x10;
	[tilespmem:s20+$0x1D750] =	vst.add.s32.msk $0xffff, v1  }
0x23a: {  	v2 =	vadd.s32 v3, v2;
	v1 =	vld [tilespmem:s20+$0x1B360]  }
0x23b: {  	[tilespmem:s20+$0x1DB50] =	vst.add.s32.msk $0xffff, v2  }
0x23c: {  	v2 =	vld [tilespmem:s20+$0x1B760]  }
0x23d: {  	v20 =	vshll.u32 v6, $0x10;
	v22 =	vshra.s32 v6, $0x10;
	v6 =	vld.idx.msk [tilespmem:v23+s2+$0x0], $0xffff  }
0x23e: {  	v56 =	vld [tilespmem:s20+$0x1CF80]  }
0x23f: {  	v35 =	vld [tilespmem:s20+$0x1BF80]  }
0x240: {  	v62 =	vshll.u32 v5, $0x10;
	v25 =	vshll.u32 v8, $0x10;
	v44 =	vld.idx.msk [tilespmem:v31+s2+$0x0], $0xffff  }
0x241: {  	v30 =	vshll.u32 v10, $0x10;
	v40 =	vshll.u32 v14, $0x10;
	v53 =	vshll.u32 v33, $0x10;
	v41 =	vld.idx.msk [tilespmem:v29+s2+$0x0], $0xffff  }
0x242: {  	v57 =	vshra.s32 v33, $0x10;
	v28 =	vshll.u32 v9, $0x10;
	v34 =	vshll.u32 v12, $0x10;
	v3 =	vld.idx.msk [tilespmem:v43+s2+$0x0], $0xffff  }
0x243: {  	v36 =	vshra.s32 v12, $0x10;
	v42 =	vshra.s32 v14, $0x10;
	v51 =	vshll.u32 v24, $0x10;
	v1 =	vld.idx.msk [tilespmem:v1+s2+$0x0], $0xffff  }
0x244: {  	v37 =	vshll.u32 v13, $0x10;
	v46 =	vshra.s32 v15, $0x10;
	v47 =	vshll.u32 v63, $0x10;
	v2 =	vld.idx.msk [tilespmem:v2+s2+$0x0], $0xffff  }
0x245: {  	v23 =	vld.idx.msk [tilespmem:v48+s2+$0x0], $0xffff;
	v38 =	vshra.s32 v37, $0x10;
	v39 =	vshra.s32 v13, $0x10;
	v43 =	vshll.u32 v15, $0x10  }
0x246: {  	v4 =	vld.idx.msk [tilespmem:v45+s2+$0x0], $0xffff;
	v49 =	vshra.s32 v47, $0x10;
	v29 =	vshra.s32 v44, $0x10;
	v45 =	vshra.s32 v43, $0x10  }
0x247: {  	v12 =	vshra.s32 v41, $0x10;
	v52 =	vld.idx.msk [tilespmem:v35+s2+$0x0], $0xffff;
	v58 =	vshll.u32 v3, $0x10;
	v3 =	vshra.s32 v3, $0x10  }
0x248: {  	v48 =	vld [tilespmem:s20+$0x1CB90];
	v17 =	vshra.s32 v58, $0x10;
	v58 =	vshll.u32 v6, $0x10;
	v59 =	vshll.u32 v1, $0x10  }
0x249: {  	v13 =	vld.idx.msk [tilespmem:v50+s2+$0x0], $0xffff;
	v1 =	vshra.s32 v1, $0x10;
	v18 =	vshra.s32 v59, $0x10;
	v61 =	vshll.u32 v2, $0x10  }
0x24a: {  	v16 =	vld.idx.msk [tilespmem:v54+s2+$0x0], $0xffff;
	v1 =	vadd.s32 v3, v1;
	v2 =	vshra.s32 v2, $0x10;
	v17 =	vadd.s32 v17, v18  }
0x24b: {  	v43 =	vld [tilespmem:s20+$0x1C390];
	v3 =	vshra.s32 v61, $0x10;
	v1 =	vadd.s32 v2, v1;
	v2 =	vshll.u32 v4, $0x10  }
0x24c: {  	v35 =	vshra.s32 v52, $0x10;
	v18 =	vld.idx.msk [tilespmem:v26+s2+$0x0], $0xffff;
	v3 =	vadd.s32 v3, v17;
	v2 =	vshra.s32 v2, $0x10  }
0x24d: {  	v59 =	vld [tilespmem:s20+$0x1D380];
	v4 =	vshra.s32 v4, $0x10;
	v2 =	vadd.s32 v2, v3;
	v3 =	vshra.s32 v62, $0x10  }
0x24e: {  	v26 =	vld [tilespmem:s20+$0x1B790];
	v1 =	vadd.s32 v4, v1;
	v2 =	vadd.s32 v3, v2;
	v3 =	vshra.s32 v5, $0x10  }
0x24f: {  	v37 =	vld [tilespmem:s20+$0x1BB90];
	v4 =	vshra.s32 v63, $0x10;
	v1 =	vadd.s32 v3, v1;
	v3 =	vshra.s32 v20, $0x10  }
0x250: {  	v62 =	vld [tilespmem:s20+$0x1AF90];
	v2 =	vadd.s32 v3, v2;
	v1 =	vadd.s32 v22, v1;
	v3 =	vshll.u32 v7, $0x10  }
0x251: {  	v54 =	vld [tilespmem:s20+$0x1D390];
	v7 =	vshra.s32 v7, $0x10;
	v61 =	vshll.u32 v18, $0x10;
	v3 =	vshra.s32 v3, $0x10  }
0x252: {  	v1 =	vadd.s32 v7, v1;
	v7 =	vld.idx.msk [tilespmem:v27+s2+$0x0], $0xffff;
	v2 =	vadd.s32 v3, v2;
	v3 =	vshra.s32 v25, $0x10  }
0x253: {  	v20 =	vshra.s32 v61, $0x10;
	v61 =	vld.idx.msk [tilespmem:v43+s2+$0x0], $0xffff;
	v2 =	vadd.s32 v3, v2;
	v3 =	vshra.s32 v8, $0x10  }
0x254: {  	v63 =	vshra.s32 v6, $0x10;
	v43 =	vld [tilespmem:s20+$0x1BBB0];
	v1 =	vadd.s32 v3, v1;
	v3 =	vshra.s32 v28, $0x10  }
0x255: {  	v5 =	vshra.s32 v24, $0x10;
	v31 =	vld.idx.msk [tilespmem:v59+s2+$0x0], $0xffff;
	v2 =	vadd.s32 v3, v2;
	v3 =	vshra.s32 v9, $0x10  }
0x256: {  	v25 =	vshll.u32 v41, $0x10;
	v8 =	vshra.s32 v30, $0x10;
	v41 =	vld.idx.msk [tilespmem:v26+s2+$0x0], $0xffff;
	v1 =	vadd.s32 v3, v1  }
0x257: {  	v9 =	vld.idx.msk [tilespmem:v32+s2+$0x0], $0xffff;
	v2 =	vadd.s32 v8, v2;
	v3 =	vshra.s32 v10, $0x10;
	v24 =	vshll.u32 v7, $0x10  }
0x258: {  	v33 =	vld.idx.msk [tilespmem:v62+s2+$0x0], $0xffff;
	v7 =	vshra.s32 v7, $0x10;
	v1 =	vadd.s32 v3, v1;
	v3 =	vshll.u32 v11, $0x10  }
0x259: {  	v10 =	vshra.s32 v34, $0x10;
	v8 =	vld.idx.msk [tilespmem:v21+s2+$0x0], $0xffff;
	v7 =	vadd.s32 v7, v12;
	v3 =	vshra.s32 v3, $0x10  }
0x25a: {  	v11 =	vshra.s32 v11, $0x10;
	[tilespmem:s20+$0x1D760] =	vst.add.s32.msk $0xffff, v2;
	v7 =	vadd.s32 v29, v7;
	v3 =	vadd.s32 v3, v10  }
0x25b: {  	[tilespmem:s20+$0x1DB60] =	vst.add.s32.msk $0xffff, v1;
	v10 =	vadd.s32 v11, v36;
	v11 =	vshra.s32 v40, $0x10;
	v36 =	vshll.u32 v23, $0x10  }
0x25c: {  	v3 =	vadd.s32 v38, v3;
	v10 =	vadd.s32 v39, v10;
	v30 =	vshll.u32 v9, $0x10;
	v39 =	vld [tilespmem:s20+$0x1BF90]  }
0x25d: {  	v9 =	vshra.s32 v9, $0x10;
	v38 =	vshra.s32 v36, $0x10;
	v36 =	vld [tilespmem:s20+$0x1C7A0];
	v3 =	vadd.s32 v11, v3  }
0x25e: {  	v6 =	vshra.s32 v23, $0x10;
	v7 =	vadd.s32 v9, v7;
	v3 =	vadd.s32 v45, v3;
	v45 =	vld [tilespmem:s20+$0x1C790]  }
0x25f: {  	v10 =	vadd.s32 v42, v10;
	v42 =	vshll.u32 v16, $0x10;
	v7 =	vadd.s32 v35, v7;
	v35 =	vld [tilespmem:s20+$0x1BBA0]  }
0x260: {  	v27 =	vshll.u32 v44, $0x10;
	v10 =	vadd.s32 v46, v10;
	v44 =	vshra.s32 v42, $0x10;
	v42 =	vld [tilespmem:s20+$0x1B7B0]  }
0x261: {  	v40 =	vshll.u32 v13, $0x10;
	v4 =	vadd.s32 v4, v10;
	v10 =	vshra.s32 v51, $0x10;
	v51 =	vld [tilespmem:s20+$0x1CF90]  }
0x262: {  	v3 =	vadd.s32 v49, v3;
	v6 =	vadd.s32 v6, v7;
	v7 =	vshra.s32 v40, $0x10;
	v40 =	vld [tilespmem:s20+$0x1AFB0]  }
0x263: {  	v3 =	vadd.s32 v10, v3;
	v10 =	vld.idx.msk [tilespmem:v56+s2+$0x0], $0xffff  }
0x264: {  	v56 =	vld.idx.msk [tilespmem:v37+s2+$0x0], $0xffff  }
0x265: {  	v4 =	vadd.s32 v5, v4;
	v5 =	vshra.s32 v24, $0x10;
	v24 =	vld.idx.msk [tilespmem:v54+s2+$0x0], $0xffff  }
0x266: {  	v55 =	vshra.s32 v53, $0x10;
	v14 =	vshra.s32 v25, $0x10;
	v50 =	vshll.u32 v31, $0x10;
	v37 =	vld [tilespmem:s20+$0x1CBA0]  }
0x267: {  	v13 =	vshra.s32 v13, $0x10;
	v3 =	vadd.s32 v55, v3;
	v55 =	vshra.s32 v31, $0x10;
	v31 =	vld [tilespmem:s20+$0x1AFA0]  }
0x268: {  	v46 =	vshra.s32 v16, $0x10;
	v6 =	vadd.s32 v13, v6;
	v5 =	vadd.s32 v5, v14;
	v14 =	vld.idx.msk [tilespmem:v43+s2+$0x0], $0xffff  }
0x269: {  	v60 =	vshra.s32 v58, $0x10;
	v6 =	vadd.s32 v46, v6;
	v46 =	vld [tilespmem:s20+$0x1C7B0]  }
0x26a: {  	v9 =	vshra.s32 v41, $0x10;
	v3 =	vadd.s32 v60, v3;
	v60 =	vshll.u32 v41, $0x10;
	v41 =	vld [tilespmem:s20+$0x1B3B0]  }
0x26b: {  	v3 =	vadd.s32 v20, v3;
	v20 =	vld.idx.msk [tilespmem:v48+s2+$0x0], $0xffff  }
0x26c: {  	v22 =	vshra.s32 v18, $0x10;
	v4 =	vadd.s32 v57, v4;
	v48 =	vld [tilespmem:s20+$0x1CFB0]  }
0x26d: {  	v28 =	vshra.s32 v27, $0x10;
	v32 =	vshll.u32 v52, $0x10;
	v4 =	vadd.s32 v63, v4;
	v11 =	vld.idx.msk [tilespmem:v39+s2+$0x0], $0xffff  }
0x26e: {  	v12 =	vshra.s32 v30, $0x10;
	v5 =	vadd.s32 v28, v5;
	v4 =	vadd.s32 v22, v4;
	[tilespmem:s20+$0x1D770] =	vst.add.s32.msk $0xffff, v3  }
0x26f: {  	v34 =	vshra.s32 v32, $0x10;
	v5 =	vadd.s32 v12, v5;
	[tilespmem:s20+$0x1DB70] =	vst.add.s32.msk $0xffff, v4  }
0x270: {  	v5 =	vadd.s32 v34, v5;
	v34 =	vld [tilespmem:s20+$0x1B7A0]  }
0x271: {  	v39 =	vld [tilespmem:s20+$0x1D3A0]  }
0x272: {  	v5 =	vadd.s32 v38, v5;
	v38 =	vld [tilespmem:s20+$0x1CFA0]  }
0x273: {  	v63 =	vld.idx.msk [tilespmem:v45+s2+$0x0], $0xffff  }
0x274: {  	v13 =	vld.idx.msk [tilespmem:v42+s2+$0x0], $0xffff  }
0x275: {  	v47 =	vshll.u32 v10, $0x10;
	v45 =	vld [tilespmem:s20+$0x1C3B0]  }
0x276: {  	v59 =	vshra.s32 v33, $0x10;
	v52 =	vshra.s32 v10, $0x10;
	v49 =	vshra.s32 v47, $0x10;
	v47 =	vld [tilespmem:s20+$0x1CBB0]  }
0x277: {  	v58 =	vshll.u32 v8, $0x10;
	v8 =	vshra.s32 v8, $0x10;
	v6 =	vadd.s32 v52, v6;
	v52 =	vld [tilespmem:s20+$0x1AFC0]  }
0x278: {  	v5 =	vadd.s32 v7, v5;
	v7 =	vadd.s32 v59, v8;
	v59 =	vld [tilespmem:s20+$0x1B7C0]  }
0x279: {  	v42 =	vld [tilespmem:s20+$0x1AFD0]  }
0x27a: {  	v22 =	vld.idx.msk [tilespmem:v51+s2+$0x0], $0xffff  }
0x27b: {  	v5 =	vadd.s32 v44, v5;
	v44 =	vld [tilespmem:s20+$0x1BFB0]  }
0x27c: {  	v57 =	vshll.u32 v33, $0x10;
	v51 =	vld [tilespmem:s20+$0x1D3B0]  }
0x27d: {  	v2 =	vshra.s32 v57, $0x10;
	v12 =	vshra.s32 v58, $0x10;
	v6 =	vadd.s32 v55, v6;
	v55 =	vld [tilespmem:s20+$0x1B3C0]  }
0x27e: {  	v62 =	vshra.s32 v60, $0x10;
	v2 =	vadd.s32 v2, v12;
	v18 =	vshll.u32 v56, $0x10;
	[tilespmem:s20+$0x1DB80] =	vst.add.s32.msk $0xffff, v6  }
0x27f: {  	v2 =	vadd.s32 v62, v2;
	v8 =	vshra.s32 v18, $0x10;
	v6 =	vld.idx.msk [tilespmem:v35+s2+$0x0], $0xffff  }
0x280: {  	v2 =	vadd.s32 v8, v2;
	v8 =	vld.idx.msk [tilespmem:v37+s2+$0x0], $0xffff  }
0x281: {  	v37 =	vld [tilespmem:s20+$0x1D3C0]  }
0x282: {  	v53 =	vshra.s32 v50, $0x10;
	v5 =	vadd.s32 v49, v5;
	v4 =	vld.idx.msk [tilespmem:v31+s2+$0x0], $0xffff  }
0x283: {  	v5 =	vadd.s32 v53, v5;
	v17 =	vld.idx.msk [tilespmem:v46+s2+$0x0], $0xffff  }
0x284: {  	v21 =	vshll.u32 v11, $0x10;
	[tilespmem:s20+$0x1D780] =	vst.add.s32.msk $0xffff, v5  }
0x285: {  	v23 =	vshra.s32 v21, $0x10;
	v12 =	vld.idx.msk [tilespmem:v41+s2+$0x0], $0xffff  }
0x286: {  	v1 =	vadd.s32 v23, v2;
	v2 =	vshra.s32 v11, $0x10;
	v11 =	vld.idx.msk [tilespmem:v40+s2+$0x0], $0xffff  }
0x287: {  	v10 =	vshra.s32 v56, $0x10;
	v7 =	vadd.s32 v9, v7;
	v19 =	vld.idx.msk [tilespmem:v48+s2+$0x0], $0xffff  }
0x288: {  	v7 =	vadd.s32 v10, v7;
	v5 =	vld.idx.msk [tilespmem:v34+s2+$0x0], $0xffff  }
0x289: {  	v2 =	vadd.s32 v2, v7;
	v7 =	vld.idx.msk [tilespmem:v36+s2+$0x0], $0xffff  }
0x28a: {  	v25 =	vshll.u32 v61, $0x10;
	v30 =	vshra.s32 v61, $0x10;
	v10 =	vld.idx.msk [tilespmem:v39+s2+$0x0], $0xffff  }
0x28b: {  	v3 =	vshra.s32 v25, $0x10;
	v29 =	vshll.u32 v24, $0x10;
	v26 =	vshll.u32 v63, $0x10;
	v9 =	vld.idx.msk [tilespmem:v38+s2+$0x0], $0xffff  }
0x28c: {  	v27 =	vshll.u32 v20, $0x10;
	v1 =	vadd.s32 v3, v1;
	v3 =	vshra.s32 v26, $0x10;
	v16 =	vld.idx.msk [tilespmem:v45+s2+$0x0], $0xffff  }
0x28d: {  	v28 =	vshll.u32 v22, $0x10;
	v1 =	vadd.s32 v3, v1;
	v3 =	vshra.s32 v27, $0x10;
	v18 =	vld.idx.msk [tilespmem:v47+s2+$0x0], $0xffff  }
0x28e: {  	v32 =	vshra.s32 v63, $0x10;
	v1 =	vadd.s32 v3, v1;
	v3 =	vshra.s32 v28, $0x10;
	v28 =	vld [tilespmem:s20+$0x1C3C0]  }
0x28f: {  	v2 =	vadd.s32 v30, v2;
	v1 =	vadd.s32 v3, v1;
	v3 =	vshra.s32 v29, $0x10;
	v29 =	vld [tilespmem:s20+$0x1C7C0]  }
0x290: {  	v33 =	vshra.s32 v20, $0x10;
	v2 =	vadd.s32 v32, v2;
	v1 =	vadd.s32 v3, v1;
	v3 =	vld [tilespmem:s20+$0x1B3A0]  }
0x291: {  	[tilespmem:s20+$0x1D790] =	vst.add.s32.msk $0xffff, v1;
	v1 =	vadd.s32 v33, v2;
	v2 =	vshra.s32 v22, $0x10  }
0x292: {  	v1 =	vadd.s32 v2, v1;
	v2 =	vshra.s32 v24, $0x10;
	v24 =	vld [tilespmem:s20+$0x1BBC0]  }
0x293: {  	v34 =	vshll.u32 v13, $0x10;
	v36 =	vshra.s32 v13, $0x10;
	v1 =	vadd.s32 v2, v1;
	v2 =	vld [tilespmem:s20+$0x1BFA0]  }
0x294: {  	v39 =	vshra.s32 v14, $0x10;
	v56 =	vshll.u32 v6, $0x10;
	v6 =	vshra.s32 v6, $0x10;
	[tilespmem:s20+$0x1DB90] =	vst.add.s32.msk $0xffff, v1  }
0x295: {  	v63 =	vshll.u32 v8, $0x10;
	v35 =	vshra.s32 v34, $0x10;
	v49 =	vshll.u32 v4, $0x10;
	v1 =	vld [tilespmem:s20+$0x1C3A0]  }
0x296: {  	v38 =	vshll.u32 v14, $0x10;
	v4 =	vshra.s32 v4, $0x10;
	v15 =	vld.idx.msk [tilespmem:v44+s2+$0x0], $0xffff;
	v20 =	vshra.s32 v49, $0x10  }
0x297: {  	v30 =	vshll.u32 v12, $0x10;
	v49 =	vshll.u32 v17, $0x10;
	v53 =	vshll.u32 v5, $0x10;
	v45 =	vld.idx.msk [tilespmem:v29+s2+$0x0], $0xffff  }
0x298: {  	v5 =	vshra.s32 v5, $0x10;
	v62 =	vshra.s32 v7, $0x10;
	v27 =	vshll.u32 v10, $0x10;
	v3 =	vld.idx.msk [tilespmem:v3+s2+$0x0], $0xffff  }
0x299: {  	v61 =	vld.idx.msk [tilespmem:v51+s2+$0x0], $0xffff;
	v33 =	vshra.s32 v12, $0x10;
	v54 =	vshra.s32 v53, $0x10;
	v25 =	vshll.u32 v9, $0x10  }
0x29a: {  	v44 =	vshll.u32 v16, $0x10;
	v48 =	vshra.s32 v16, $0x10;
	v51 =	vshll.u32 v18, $0x10;
	v22 =	vld.idx.msk [tilespmem:v24+s2+$0x0], $0xffff  }
0x29b: {  	v40 =	vshll.u32 v15, $0x10;
	v43 =	vshra.s32 v15, $0x10;
	v47 =	vshra.s32 v44, $0x10;
	v2 =	vld.idx.msk [tilespmem:v2+s2+$0x0], $0xffff  }
0x29c: {  	v31 =	vld [tilespmem:s20+$0x1CBC0];
	v53 =	vshra.s32 v51, $0x10;
	v41 =	vshra.s32 v40, $0x10;
	v40 =	vshll.u32 v45, $0x10  }
0x29d: {  	v1 =	vld.idx.msk [tilespmem:v1+s2+$0x0], $0xffff;
	v15 =	vshra.s32 v45, $0x10;
	v50 =	vshll.u32 v3, $0x10;
	v3 =	vshra.s32 v3, $0x10  }
0x29e: {  	v26 =	vld [tilespmem:s20+$0x1BFC0];
	v21 =	vshra.s32 v50, $0x10;
	v3 =	vadd.s32 v4, v3;
	v50 =	vshra.s32 v17, $0x10  }
0x29f: {  	v32 =	vld [tilespmem:s20+$0x1CFC0];
	v20 =	vadd.s32 v20, v21;
	v3 =	vadd.s32 v5, v3;
	v5 =	vshra.s32 v56, $0x10  }
0x2a0: {  	v21 =	vld.idx.msk [tilespmem:v28+s2+$0x0], $0xffff;
	v28 =	vshll.u32 v22, $0x10;
	v4 =	vadd.s32 v54, v20;
	v57 =	vshll.u32 v2, $0x10  }
0x2a1: {  	v13 =	vld.idx.msk [tilespmem:v37+s2+$0x0], $0xffff;
	v3 =	vadd.s32 v6, v3;
	v2 =	vshra.s32 v2, $0x10;
	v54 =	vshra.s32 v18, $0x10  }
0x2a2: {  	v12 =	vld.idx.msk [tilespmem:v42+s2+$0x0], $0xffff;
	v4 =	vadd.s32 v5, v4;
	v58 =	vshra.s32 v57, $0x10;
	v60 =	vshll.u32 v1, $0x10  }
0x2a3: {  	v20 =	vld.idx.msk [tilespmem:v52+s2+$0x0], $0xffff;
	v2 =	vadd.s32 v2, v3;
	v1 =	vshra.s32 v1, $0x10;
	v4 =	vadd.s32 v58, v4  }
0x2a4: {  	v6 =	vld.idx.msk [tilespmem:v59+s2+$0x0], $0xffff;
	v3 =	vshra.s32 v60, $0x10;
	v1 =	vadd.s32 v1, v2;
	v2 =	vshll.u32 v7, $0x10  }
0x2a5: {  	v7 =	vld.idx.msk [tilespmem:v55+s2+$0x0], $0xffff;
	v55 =	vshll.u32 v19, $0x10;
	v58 =	vshll.u32 v61, $0x10;
	v60 =	vshra.s32 v19, $0x10  }
0x2a6: {  	v56 =	vld [tilespmem:s20+$0x1B7D0];
	v3 =	vadd.s32 v3, v4;
	v2 =	vshra.s32 v2, $0x10;
	v1 =	vadd.s32 v62, v1  }
0x2a7: {  	v51 =	vld [tilespmem:s20+$0x1B3E0];
	v4 =	vshra.s32 v27, $0x10;
	v57 =	vshra.s32 v55, $0x10;
	v14 =	vshra.s32 v58, $0x10  }
0x2a8: {  	v24 =	vld [tilespmem:s20+$0x1C3D0];
	v2 =	vadd.s32 v2, v3;
	v3 =	vshra.s32 v63, $0x10;
	v34 =	vshll.u32 v21, $0x10  }
0x2a9: {  	v59 =	vld [tilespmem:s20+$0x1BBD0];
	v2 =	vadd.s32 v3, v2;
	v3 =	vshra.s32 v8, $0x10;
	v62 =	vshll.u32 v20, $0x10  }
0x2aa: {  	v8 =	vld.idx.msk [tilespmem:v26+s2+$0x0], $0xffff;
	v20 =	vshra.s32 v20, $0x10;
	v26 =	vshll.u32 v6, $0x10;
	v6 =	vshra.s32 v6, $0x10  }
0x2ab: {  	v52 =	vld [tilespmem:s20+$0x1B3D0];
	v37 =	vshra.s32 v34, $0x10;
	v1 =	vadd.s32 v3, v1;
	v3 =	vshra.s32 v25, $0x10  }
0x2ac: {  	v27 =	vld [tilespmem:s20+$0x1CBD0];
	v2 =	vadd.s32 v3, v2;
	v3 =	vshra.s32 v9, $0x10;
	v9 =	vshra.s32 v30, $0x10  }
0x2ad: {  	v55 =	vld [tilespmem:s20+$0x1B7E0];
	v63 =	vshll.u32 v7, $0x10;
	v7 =	vshra.s32 v7, $0x10;
	v30 =	vshra.s32 v22, $0x10  }
0x2ae: {  	v29 =	vld.idx.msk [tilespmem:v56+s2+$0x0], $0xffff;
	v56 =	vshll.u32 v12, $0x10;
	v12 =	vshra.s32 v12, $0x10;
	v1 =	vadd.s32 v3, v1  }
0x2af: {  	v58 =	vld [tilespmem:s20+$0x1BBE0];
	v2 =	vadd.s32 v4, v2;
	v3 =	vshra.s32 v10, $0x10;
	v7 =	vadd.s32 v20, v7  }
0x2b0: {  	v25 =	vld [tilespmem:s20+$0x1C7D0];
	v1 =	vadd.s32 v3, v1;
	v3 =	vshll.u32 v11, $0x10;
	v11 =	vshra.s32 v11, $0x10  }
0x2b1: {  	v10 =	vld.idx.msk [tilespmem:v31+s2+$0x0], $0xffff;
	v6 =	vadd.s32 v6, v7;
	v7 =	vshra.s32 v28, $0x10;
	v3 =	vshra.s32 v3, $0x10  }
0x2b2: {  	v18 =	vld.idx.msk [tilespmem:v59+s2+$0x0], $0xffff;
	v31 =	vshll.u32 v8, $0x10;
	v6 =	vadd.s32 v30, v6;
	v8 =	vshra.s32 v8, $0x10  }
0x2b3: {  	v17 =	vld.idx.msk [tilespmem:v52+s2+$0x0], $0xffff;
	v3 =	vadd.s32 v3, v9;
	v9 =	vadd.s32 v11, v33;
	v11 =	vshra.s32 v38, $0x10  }
0x2b4: {  	v59 =	vld [tilespmem:s20+$0x1BFE0];
	v38 =	vshra.s32 v21, $0x10;
	v3 =	vadd.s32 v35, v3;
	v9 =	vadd.s32 v36, v9  }
0x2b5: {  	v45 =	vld.idx.msk [tilespmem:v27+s2+$0x0], $0xffff;
	v36 =	vadd.s32 v8, v6;
	v3 =	vadd.s32 v11, v3;
	v9 =	vadd.s32 v39, v9  }
0x2b6: {  	v11 =	vld.idx.msk [tilespmem:v32+s2+$0x0], $0xffff;
	v32 =	vshra.s32 v31, $0x10;
	v5 =	vadd.s32 v38, v36;
	v42 =	vshll.u32 v10, $0x10  }
0x2b7: {  	v39 =	vld.idx.msk [tilespmem:v24+s2+$0x0], $0xffff;
	v24 =	vshll.u32 v18, $0x10;
	v18 =	vshra.s32 v18, $0x10;
	v3 =	vadd.s32 v41, v3  }
0x2b8: {  	v28 =	vld [tilespmem:s20+$0x1C7E0];
	v46 =	vadd.s32 v43, v9;
	v9 =	vshra.s32 v49, $0x10;
	v5 =	vadd.s32 v15, v5  }
0x2b9: {  	v20 =	vld.idx.msk [tilespmem:v51+s2+$0x0], $0xffff;
	v44 =	vshra.s32 v42, $0x10;
	v3 =	vadd.s32 v47, v3;
	v4 =	vadd.s32 v48, v46  }
0x2ba: {  	v51 =	vld [tilespmem:s20+$0x1B3F0];
	v46 =	vshra.s32 v10, $0x10;
	v3 =	vadd.s32 v9, v3;
	v4 =	vadd.s32 v50, v4  }
0x2bb: {  	v33 =	vld [tilespmem:s20+$0x1CFD0];
	v5 =	vadd.s32 v46, v5;
	v50 =	vshll.u32 v13, $0x10;
	v34 =	vshll.u32 v45, $0x10  }
0x2bc: {  	v16 =	vld.idx.msk [tilespmem:v58+s2+$0x0], $0xffff;
	v38 =	vshra.s32 v45, $0x10;
	v3 =	vadd.s32 v53, v3;
	v4 =	vadd.s32 v54, v4  }
0x2bd: {  	v41 =	vld.idx.msk [tilespmem:v25+s2+$0x0], $0xffff;
	v10 =	vshra.s32 v50, $0x10;
	v54 =	vshra.s32 v13, $0x10;
	v36 =	vshra.s32 v34, $0x10  }
0x2be: {  	v43 =	vld [tilespmem:s20+$0x1D3D0];
	v50 =	vshll.u32 v20, $0x10;
	v3 =	vadd.s32 v57, v3;
	v9 =	vadd.s32 v60, v4  }
0x2bf: {  	v48 =	vld [tilespmem:s20+$0x1AFE0];
	v47 =	vshll.u32 v11, $0x10;
	v52 =	vshra.s32 v11, $0x10;
	v57 =	vshll.u32 v17, $0x10  }
0x2c0: {  	v46 =	vld.idx.msk [tilespmem:v28+s2+$0x0], $0xffff;
	v60 =	vshra.s32 v17, $0x10;
	v30 =	vshll.u32 v39, $0x10;
	v4 =	vadd.s32 v14, v3  }
0x2c1: {  	v34 =	vld [tilespmem:s20+$0x1CBF0];
	v3 =	vshra.s32 v61, $0x10;
	v14 =	vshra.s32 v63, $0x10;
	v49 =	vshra.s32 v47, $0x10  }
0x2c2: {  	v61 =	vld [tilespmem:s20+$0x1BFD0];
	v5 =	vadd.s32 v52, v5;
	v13 =	vshra.s32 v57, $0x10;
	v12 =	vadd.s32 v12, v60  }
0x2c3: {  	v53 =	vld.idx.msk [tilespmem:v33+s2+$0x0], $0xffff;
	v31 =	vshra.s32 v30, $0x10;
	v8 =	vshra.s32 v41, $0x10;
	v57 =	vshll.u32 v16, $0x10  }
0x2c4: {  	v33 =	vld.idx.msk [tilespmem:v59+s2+$0x0], $0xffff;
	v16 =	vshra.s32 v16, $0x10;
	v3 =	vadd.s32 v3, v9;
	v9 =	vshra.s32 v62, $0x10  }
0x2c5: {  	v63 =	vld [tilespmem:s20+$0x1C3E0];
	v5 =	vadd.s32 v54, v5;
	v9 =	vadd.s32 v9, v14;
	v14 =	vshra.s32 v26, $0x10  }
0x2c6: {  	v52 =	vld [tilespmem:s20+$0x1B7F0];
	v9 =	vadd.s32 v14, v9;
	v14 =	vshra.s32 v29, $0x10;
	v15 =	vshra.s32 v46, $0x10  }
0x2c7: {  	v21 =	vld.idx.msk [tilespmem:v43+s2+$0x0], $0xffff;
	v7 =	vadd.s32 v7, v9;
	v12 =	vadd.s32 v14, v12;
	v9 =	vshra.s32 v39, $0x10  }
0x2c8: {  	v43 =	vld [tilespmem:s20+$0x1D3E0];
	v7 =	vadd.s32 v32, v7;
	v12 =	vadd.s32 v18, v12;
	v32 =	vshll.u32 v41, $0x10  }
0x2c9: {  	v25 =	vld.idx.msk [tilespmem:v48+s2+$0x0], $0xffff;
	v39 =	vshll.u32 v53, $0x10;
	v18 =	vshra.s32 v50, $0x10;
	v58 =	vshll.u32 v33, $0x10  }
0x2ca: {  	v48 =	vld [tilespmem:s20+$0x1AFF0];
	v6 =	vadd.s32 v37, v7;
	v7 =	vshra.s32 v40, $0x10;
	v41 =	vshra.s32 v39, $0x10  }
0x2cb: {  	v40 =	vld [tilespmem:s20+$0x1CFE0];
	v59 =	vshra.s32 v58, $0x10;
	v6 =	vadd.s32 v7, v6;
	v7 =	vshra.s32 v56, $0x10  }
0x2cc: {  	v35 =	vld.idx.msk [tilespmem:v61+s2+$0x0], $0xffff;
	v6 =	vadd.s32 v44, v6;
	v7 =	vadd.s32 v7, v13;
	v61 =	vshll.u32 v29, $0x10  }
0x2cd: {  	v13 =	vshra.s32 v24, $0x10;
	v37 =	vld.idx.msk [tilespmem:v63+s2+$0x0], $0xffff;
	v42 =	vshll.u32 v21, $0x10;
	v44 =	vshra.s32 v53, $0x10  }
0x2ce: {  	v47 =	vshra.s32 v21, $0x10;
	v53 =	vshra.s32 v20, $0x10;
	v63 =	vld.idx.msk [tilespmem:v51+s2+$0x0], $0xffff;
	v21 =	vshll.u32 v46, $0x10  }
0x2cf: {  	v24 =	vld.idx.msk [tilespmem:v52+s2+$0x0], $0xffff;
	v6 =	vadd.s32 v49, v6;
	v62 =	vshra.s32 v61, $0x10;
	v45 =	vshra.s32 v42, $0x10  }
0x2d0: {  	v52 =	vld.idx.msk [tilespmem:v34+s2+$0x0], $0xffff;
	v49 =	vshll.u32 v25, $0x10;
	v14 =	vshra.s32 v25, $0x10;
	v7 =	vadd.s32 v62, v7  }
0x2d1: {  	v6 =	vadd.s32 v10, v6;
	v10 =	vld.idx.msk [tilespmem:v55+s2+$0x0], $0xffff;
	v14 =	vadd.s32 v14, v53;
	v7 =	vadd.s32 v13, v7  }
0x2d2: {  	v13 =	vshra.s32 v33, $0x10;
	v26 =	vshll.u32 v35, $0x10;
	v29 =	vshra.s32 v35, $0x10  }
0x2d3: {  	v19 =	vld.idx.msk [tilespmem:v43+s2+$0x0], $0xffff;
	v61 =	vshll.u32 v37, $0x10;
	v43 =	vshra.s32 v63, $0x10;
	v27 =	vshra.s32 v26, $0x10  }
0x2d4: {  	v12 =	vadd.s32 v29, v12;
	v17 =	vld.idx.msk [tilespmem:v40+s2+$0x0], $0xffff;
	v62 =	vshra.s32 v61, $0x10;
	v40 =	vshll.u32 v63, $0x10  }
0x2d5: {  	v56 =	vld [tilespmem:s20+$0x1BBF0];
	v61 =	vshll.u32 v52, $0x10;
	v7 =	vadd.s32 v27, v7;
	v9 =	vadd.s32 v9, v12  }
0x2d6: {  	v11 =	vld.idx.msk [tilespmem:v48+s2+$0x0], $0xffff;
	v12 =	vshra.s32 v32, $0x10;
	v54 =	vshll.u32 v10, $0x10;
	v10 =	vshra.s32 v10, $0x10  }
0x2d7: {  	v42 =	vshra.s32 v40, $0x10;
	v7 =	vadd.s32 v31, v7;
	v8 =	vadd.s32 v8, v9  }
0x2d8: {  	v60 =	vld [tilespmem:s20+$0x1BFF0];
	v9 =	vshra.s32 v49, $0x10;
	v55 =	vshra.s32 v54, $0x10;
	v10 =	vadd.s32 v10, v14  }
0x2d9: {  	v14 =	vshra.s32 v57, $0x10;
	v33 =	vshll.u32 v19, $0x10;
	v7 =	vadd.s32 v12, v7  }
0x2da: {  	[tilespmem:s20+$0x1D7A0] =	vst.add.s32.msk $0xffff, v2;
	v8 =	vadd.s32 v38, v8;
	v9 =	vadd.s32 v9, v18;
	v10 =	vadd.s32 v16, v10  }
0x2db: {  	v35 =	vld [tilespmem:s20+$0x1CBE0];
	v12 =	vshra.s32 v37, $0x10;
	v37 =	vshra.s32 v19, $0x10;
	v39 =	vshll.u32 v11, $0x10  }
0x2dc: {  	v26 =	vld [tilespmem:s20+$0x1C3F0];
	v11 =	vshra.s32 v11, $0x10;
	v7 =	vadd.s32 v36, v7;
	v8 =	vadd.s32 v44, v8  }
0x2dd: {  	[tilespmem:s20+$0x1DBA0] =	vst.add.s32.msk $0xffff, v1;
	v9 =	vadd.s32 v55, v9;
	v10 =	vadd.s32 v13, v10;
	v36 =	vshra.s32 v33, $0x10  }
0x2de: {  	v28 =	vld.idx.msk [tilespmem:v56+s2+$0x0], $0xffff;
	v2 =	vshra.s32 v39, $0x10;
	v44 =	vshll.u32 v24, $0x10;
	v1 =	vadd.s32 v11, v43  }
0x2df: {  	v31 =	vld [tilespmem:s20+$0x1C7F0];
	v7 =	vadd.s32 v41, v7;
	v8 =	vadd.s32 v47, v8;
	v9 =	vadd.s32 v14, v9  }
0x2e0: {  	v16 =	vld.idx.msk [tilespmem:v60+s2+$0x0], $0xffff;
	v10 =	vadd.s32 v12, v10;
	v12 =	vshra.s32 v21, $0x10;
	v30 =	vshll.u32 v17, $0x10  }
0x2e1: {  	v38 =	vld [tilespmem:s20+$0x1CFF0];
	v2 =	vadd.s32 v2, v42;
	v46 =	vshra.s32 v44, $0x10;
	v47 =	vshra.s32 v24, $0x10  }
0x2e2: {  	v41 =	vld [tilespmem:s20+$0x1D3F0];
	v7 =	vadd.s32 v45, v7;
	v9 =	vadd.s32 v59, v9;
	v10 =	vadd.s32 v15, v10  }
0x2e3: {  	v32 =	vshra.s32 v30, $0x10;
	v2 =	vadd.s32 v46, v2;
	v1 =	vadd.s32 v47, v1;
	v22 =	vld.idx.msk [tilespmem:v35+s2+$0x0], $0xffff  }
0x2e4: {  	v48 =	vshll.u32 v28, $0x10;
	v50 =	vshra.s32 v28, $0x10;
	v9 =	vadd.s32 v62, v9;
	v45 =	vld.idx.msk [tilespmem:v26+s2+$0x0], $0xffff  }
0x2e5: {  	v35 =	vshra.s32 v17, $0x10;
	v11 =	vshra.s32 v48, $0x10;
	v1 =	vadd.s32 v50, v1  }
0x2e6: {  	v9 =	vadd.s32 v12, v9;
	v51 =	vshll.u32 v16, $0x10;
	v54 =	vshra.s32 v16, $0x10  }
0x2e7: {  	v2 =	vadd.s32 v11, v2;
	v53 =	vshra.s32 v51, $0x10;
	v1 =	vadd.s32 v54, v1;
	v49 =	vld.idx.msk [tilespmem:v31+s2+$0x0], $0xffff  }
0x2e8: {  	v2 =	vadd.s32 v53, v2;
	v25 =	vshll.u32 v22, $0x10;
	v29 =	vshra.s32 v22, $0x10  }
0x2e9: {  	[tilespmem:s20+$0x1D7B0] =	vst.add.s32.msk $0xffff, v4;
	v27 =	vshra.s32 v25, $0x10;
	v10 =	vadd.s32 v29, v10;
	v55 =	vshll.u32 v45, $0x10  }
0x2ea: {  	v56 =	vld.idx.msk [tilespmem:v38+s2+$0x0], $0xffff;
	v58 =	vshra.s32 v45, $0x10;
	v9 =	vadd.s32 v27, v9;
	v10 =	vadd.s32 v35, v10  }
0x2eb: {  	v59 =	vld.idx.msk [tilespmem:v41+s2+$0x0], $0xffff;
	v57 =	vshra.s32 v55, $0x10;
	v1 =	vadd.s32 v58, v1;
	v9 =	vadd.s32 v32, v9  }
0x2ec: {  	[tilespmem:s20+$0x1DBB0] =	vst.add.s32.msk $0xffff, v3;
	v10 =	vadd.s32 v37, v10;
	v2 =	vadd.s32 v57, v2;
	v3 =	vshll.u32 v49, $0x10  }
0x2ed: {  	[tilespmem:s20+$0x1DBC0] =	vst.add.s32.msk $0xffff, v5;
	v60 =	vshra.s32 v49, $0x10;
	v9 =	vadd.s32 v36, v9;
	v3 =	vshra.s32 v3, $0x10  }
0x2ee: {  	s18 =	sadd.s32 $0x10, s18;
	[tilespmem:s20+$0x1D7C0] =	vst.add.s32.msk $0xffff, v6;
	v1 =	vadd.s32 v60, v1;
	v2 =	vadd.s32 v3, v2;
	v3 =	vshra.s32 v61, $0x10  }
0x2ef: {  	p0 =	slt.u32 s18, $0x30;
	[tilespmem:s20+$0x1DBD0] =	vst.add.s32.msk $0xffff, v8;
	v62 =	vshll.u32 v56, $0x10;
	v2 =	vadd.s32 v3, v2;
	v3 =	vshra.s32 v52, $0x10  }
.Ltmp2:
0x2f0: {  	[tilespmem:s20+$0x1D7D0] =	vst.add.s32.msk $0xffff, v7;
	v63 =	vshll.u32 v59, $0x10;
	v1 =	vadd.s32 v3, v1;
	v3 =	vshra.s32 v62, $0x10;
	(pc) =	sbr.rel @p0 .LBB2_7-.Ltmp2, $4  }
0x2f1: {  	[tilespmem:s20+$0x1DBE0] =	vst.add.s32.msk $0xffff, v10;
	v4 =	vshra.s32 v63, $0x10;
	v2 =	vadd.s32 v3, v2;
	v3 =	vshra.s32 v56, $0x10  }
0x2f2: {  	[tilespmem:s20+$0x1D7E0] =	vst.add.s32.msk $0xffff, v9;
	v1 =	vadd.s32 v3, v1;
	v2 =	vadd.s32 v4, v2;
	v3 =	vshra.s32 v59, $0x10  }
0x2f3: {  	v1 =	vadd.s32 v3, v1;
	[tilespmem:s20+$0x1D7F0] =	vst.add.s32.msk $0xffff, v2  }
0x2f4: {  	s19 =	sadd.s32 $0x400, s19;
	[tilespmem:s20+$0x1DBF0] =	vst.add.s32.msk $0xffff, v1  }
0x2f5: {  	s17 =	sadd.s32 $0x1, s17  }
0x2f6: {  	p0 =	sne.s32 s17, $0xA  }
.Ltmp3:
0x2f7: {  	_ = 	snop;
	(pc) =	sbr.rel @p0 .LBB2_4-.Ltmp3, $1  }
0x2f8: {  	_ =	sdelay $0x3  }
0x2f9: {  	[hbm4b:s4+s2] =	stream.linear.scatter [tilespmem:s13], [sflag:$0x3], $0x400, $0x38;
	[tilespmem:$0x1DF00] =	vst v63  }
0x2fa: {  	s15 =	sadd.s32 $0x1, s15;
	_ =	swait.ge [sflag:s8], $0x400  }
0x2fb: {  	p0 =	sne.s32 s15, s7;
	[sflag:s8] =	ssyncset.done $0x0  }
.Ltmp4:
0x2fc: {  	[sflag:s8] =	ssyncadd.s32 $0xFFFFFC00;
	(pc) =	sbr.rel @p0 .LBB2_1-.Ltmp4, $4  }
0x2fd: {  	[hbm4b:s6+s2] =	stream.linear.scatter [tilespmem:s14], [sflag:$0x3], $0x400, $0x38;
	[tilespmem:$0x1DF00] =	vst v63  }
0x2fe: {  	_ =	swait.ge [sflag:s8], $0x400  }
0x2ff: {  	[sflag:s8] =	ssyncset.done $0x0  }
0x300: {  	[sflag:s8] =	ssyncadd.s32 $0xFFFFFC00  }
0x301: {  	_ =	sfence.sel $0x180000  }
0x302: {  	[bflag:$0x0] =	sbarrier.arrive $0xFFFF  }
0x303: {  	p0 =	sne.s32 s0, $0x0;
	_ =	strace $0x90000047  }
0x304: {  	s0 =	sadd.s32 @!p0 $0x100000, s1;
	[bflag:$0x2] =	sbarrier.arrive $0xFFFF  }
0x305: {  	[sflag:s0] =	ssyncadd.tile.s32 @!p0 $0x1;
	_ =	shalt  }
.Lfunc_end2:
_tile_overlayer_lowered:
.L_overlay_start_2:
0x306: {  	(tag) =	ssettag $0x2  }
0x307: {  	s0 =	rddreg [dreg:$0x0];
	s2 =	stileid.u32  }
0x308: {  	s1 =	rddreg [dreg:$0x1];
	p0 =	sne.s32 s2, $0x0  }
0x309: {  	s3 =	rddreg [dreg:$0x2];
	[bflag:$0x3] =	sbarrier.arrive $0xFFFF;
	s2 =	simm.s32 @!p0 $0x1C03  }
0x30a: {  	[timem:s3], [sflag:s2] =	dma.local @!p0 [hbm:s0], s1  }
0x30b: {  	s0 =	simm.s32 @!p0 $0x3  }
0x30c: {  	_ =	swait.ge @!p0 [sflag:s0], s1  }
0x30d: {  	s1 =	ssub.s32 @!p0 $0x0, s1;
	[sflag:s0] =	ssyncset.done @!p0 $0x0  }
0x30e: {  	[sflag:s0] =	ssyncadd.s32 @!p0 s1  }
0x30f: {  	[bflag:$0x3] =	sbarrier.arrive $0xFFFF  }
0x310: {  	_ =	shalt  }

</sc_bundles>
